<compile_context>
chip_gen: v7x
topology: tpu7x:2x2x1
jax: 0.10.2.dev20260603
libtpu: 0.0.44.dev20260713+nightly
codegen_flags: <defaults>
</compile_context>

<pallas_src>
import functools

import jax
import jax.numpy as jnp
from jax import lax
from jax.experimental import pallas as pl
from jax.experimental.pallas import tpu as pltpu
from jax.experimental.pallas import tpu_sc as plsc

N_NODES = 10000
N_EDGES = 320000
DIM = 128
LANES = 16

NC, NS = 2, 16
CHUNK = 128
CPT0 = 105
CPT1 = 53
CPTM = max(CPT0, CPT1)
E0 = NS * CPT0 * CHUNK
E1 = NS * CPT1 * CHUNK
EPAD = E0 + E1
ZROWS = 640
AGG_ROWS = NS * ZROWS
DUMMY_DST = AGG_ROWS - 1
SHIFT = 14


def _sc_segment_sum(x, packed, zrows):
    mesh = plsc.VectorSubcoreMesh(core_axis_name="c", subcore_axis_name="s")

    @functools.partial(
        pl.kernel,
        out_type=jax.ShapeDtypeStruct((NC, AGG_ROWS, DIM), jnp.float32),
        mesh=mesh,
        scratch_types=[
            pltpu.VMEM((CPTM, CHUNK), jnp.int32),
            pltpu.VMEM((2, CHUNK), jnp.int32),
            pltpu.VMEM((2, CHUNK), jnp.int32),
            pltpu.VMEM((CHUNK, DIM), jnp.float32),
            pltpu.VMEM((CHUNK, DIM), jnp.float32),
            pltpu.VMEM_SHARED((AGG_ROWS, DIM), jnp.float32),
            pltpu.SemaphoreType.DMA,
            pltpu.SemaphoreType.DMA,
        ],
    )
    def k(x_hbm, pk_hbm, z_hbm, out_hbm,
          pk_v, src_r, dst_r, rows0, rows1, agg_sh, sem0, sem1):
        c = lax.axis_index("c")
        s = lax.axis_index("s")
        n = lax.select(c == 0, jnp.int32(CPT0), jnp.int32(CPT1))
        pltpu.sync_copy(z_hbm, agg_sh.at[pl.ds(s * ZROWS, ZROWS)])
        pltpu.sync_copy(pk_hbm.at[c, s], pk_v)
        plsc.subcore_barrier()

        def decode_src(j, row):
            for g in range(CHUNK // LANES):
                v = pk_v[j, pl.ds(g * LANES, LANES)]
                src_r[row, pl.ds(g * LANES, LANES)] = lax.bitwise_and(
                    v, (1 << SHIFT) - 1)

        def decode_dst(j, row):
            for g in range(CHUNK // LANES):
                v = pk_v[j, pl.ds(g * LANES, LANES)]
                dst_r[row, pl.ds(g * LANES, LANES)] = lax.shift_right_logical(
                    v, SHIFT)

        rows = (rows0, rows1)
        sems = (sem0, sem1)

        decode_src(0, 0)
        pltpu.async_copy(x_hbm.at[src_r.at[0]], rows0, sem0)

        def step(j, par):
            npar = 1 - par
            decode_src(j + 1, npar)
            pltpu.async_copy(x_hbm.at[src_r.at[npar]], rows[npar], sems[npar])
            decode_dst(j, par)
            pltpu.make_async_copy(
                x_hbm.at[src_r.at[par]], rows[par], sems[par]).wait()
            pltpu.sync_copy(rows[par], agg_sh.at[dst_r.at[par]], add=True)

        @pl.loop(0, (n - 1) // 2)
        def _(i):
            j = i * 2
            step(j, 0)
            step(j + 1, 1)

        decode_dst(n - 1, 0)
        pltpu.make_async_copy(
            x_hbm.at[src_r.at[0]], rows0, sem0).wait()
        pltpu.sync_copy(rows0, agg_sh.at[dst_r.at[0]], add=True)

        plsc.subcore_barrier()
        base = s * ZROWS
        pltpu.sync_copy(agg_sh.at[pl.ds(base, ZROWS)],
                        out_hbm.at[c, pl.ds(base, ZROWS)])

    return k(x, packed, zrows)


def _enc_body(m_ref, w_ref, b_ref, pw_ref, h_ref):
    w = w_ref[...]
    h = lax.dot_general(m_ref[...], w, (((1,), (1,)), ((), ())),
                        preferred_element_type=jnp.float32,
                        precision=lax.Precision.HIGHEST) + b_ref[...]
    pw = pw_ref[0, 0]
    h = jnp.maximum(h, 0.0) + pw * jnp.minimum(h, 0.0)
    mx = jnp.max(h, axis=1, keepdims=True)
    e = jnp.exp(h - mx)
    h_ref[...] = e / jnp.sum(e, axis=1, keepdims=True)


def _tc_encoder(m, W, b, prelu_w):
    grid = 10
    blk = N_NODES // grid
    return pl.pallas_call(
        _enc_body,
        grid=(grid,),
        in_specs=[
            pl.BlockSpec((blk, DIM), lambda i: (i, 0)),
            pl.BlockSpec((DIM, DIM), lambda i: (0, 0)),
            pl.BlockSpec((1, DIM), lambda i: (0, 0)),
            pl.BlockSpec((1, 1), lambda i: (0, 0)),
        ],
        out_specs=pl.BlockSpec((blk, DIM), lambda i: (i, 0)),
        out_shape=jax.ShapeDtypeStruct((N_NODES, DIM), jnp.float32),
    )(m, W, b.reshape(1, DIM), prelu_w.reshape(1, 1))


def _tc_sum_partials(partials):
    grid = 10
    blk = N_NODES // grid

    def body(p_ref, a_ref):
        a_ref[...] = p_ref[0] + p_ref[1]

    return pl.pallas_call(
        body,
        grid=(grid,),
        in_specs=[pl.BlockSpec((NC, blk, DIM), lambda i: (0, i, 0))],
        out_specs=pl.BlockSpec((blk, DIM), lambda i: (i, 0)),
        out_shape=jax.ShapeDtypeStruct((N_NODES, DIM), jnp.float32),
    )(partials)


def kernel(x, edge_index, W, b, prelu_w):
    ei = edge_index.astype(jnp.int32)
    pad = EPAD - N_EDGES
    flat = jnp.concatenate(
        [(ei[1] << SHIFT) | ei[0],
         jnp.full((pad,), DUMMY_DST << SHIFT, jnp.int32)])
    packed = jnp.full((NC, NS, CPTM, CHUNK), DUMMY_DST << SHIFT, jnp.int32)
    packed = packed.at[0, :, :CPT0].set(flat[:E0].reshape(NS, CPT0, CHUNK))
    packed = packed.at[1, :, :CPT1].set(flat[E0:].reshape(NS, CPT1, CHUNK))
    zrows = jnp.zeros((ZROWS, DIM), jnp.float32)
    partials = _sc_segment_sum(x, packed, zrows)
    h_node = _tc_encoder(x, W, b, prelu_w)
    h_graph = _tc_encoder(_tc_sum_partials(partials), W, b, prelu_w)
    return (h_node, h_graph)

# --- scband reference (transcript-rebuilt; emitter-appended) ---
"""Pipeline reference for scband-graph-reshape-16338055594072 (READ-ONLY COPY).

The authoritative reference and input builder live on the scoring server;
editing this copy changes nothing except your own understanding.
"""

import jax, jax.numpy as jnp
import numpy as np

N_NODES = 10000
N_EDGES = 320000
X_DIM = 128
H_DIM = 128


def setup_inputs(seed: int = 0) -> dict:
    key = jax.random.key(seed)
    k1, k2, k3 = jax.random.split(key, 3)
    x = jax.random.normal(k1, (N_NODES, X_DIM), dtype=jnp.float32)
    edge_index = jax.random.randint(k2, (2, N_EDGES), 0, N_NODES, dtype=jnp.int64)
    # Linear layer params (PyTorch nn.Linear: y = x @ W.T + b)
    W = jax.random.normal(k3, (H_DIM, X_DIM), dtype=jnp.float32) * 0.05
    b = jnp.zeros((H_DIM,), dtype=jnp.float32)
    # PReLU single-channel weight, PyTorch default init 0.25
    prelu_w = jnp.full((1,), 0.25, dtype=jnp.float32)
    return {"x": x, "edge_index": edge_index, "W": W, "b": b, "prelu_w": prelu_w}


def _encoder(inp, W, b, prelu_w):
    h = inp @ W.T + b
    # PReLU: max(0,h) + w * min(0,h)
    h = jnp.maximum(h, 0.0) + prelu_w[0] * jnp.minimum(h, 0.0)
    # F.softmax on 2D tensor defaults to dim=1
    h = jax.nn.softmax(h, axis=1)
    return h


def reference(x, edge_index, W, b, prelu_w):
    src = edge_index[0]
    dst = edge_index[1]
    # torch.spmm(adj, x) with binary adjacency: sum of neighbor features per dst node
    gathered = jnp.take(x, src, axis=0)
    agg = jax.ops.segment_sum(gathered, dst, num_segments=N_NODES)
    h_node = _encoder(x, W, b, prelu_w)
    h_graph = _encoder(agg, W, b, prelu_w)
    return (h_node, h_graph)

if __name__ == "__main__":
    import jax
    _d = setup_inputs()
    print(jax.jit(kernel)(*tuple(_d.values())))

</pallas_src>

<mosaic_0001>
#map = affine_map<(d0, d1) -> (0, 0)>
#map1 = affine_map<(d0, d1) -> (0, 0, 0, 0)>
#map2 = affine_map<(d0, d1) -> (0, 0, 0)>
module attributes {stable_mosaic.version = 14 : i64} {
  func.func @k(%arg0: i32, %arg1: i32, %arg2: memref<10000x128xf32, #tpu.memory_space<hbm>>, %arg3: memref<2x16x105x128xi32, #tpu.memory_space<hbm>>, %arg4: memref<640x128xf32, #tpu.memory_space<hbm>>, %arg5: memref<2x10240x128xf32, #tpu.memory_space<hbm>>, %arg6: memref<105x128xi32, #tpu.memory_space<vmem>>, %arg7: memref<2x128xi32, #tpu.memory_space<vmem>>, %arg8: memref<2x128xi32, #tpu.memory_space<vmem>>, %arg9: memref<128x128xf32, #tpu.memory_space<vmem>>, %arg10: memref<128x128xf32, #tpu.memory_space<vmem>>, %arg11: memref<10240x128xf32, #tpu.memory_space<vmem_shared>>, %arg12: memref<!tpu.dma_semaphore, #tpu.memory_space<semaphore_mem>>, %arg13: memref<!tpu.dma_semaphore, #tpu.memory_space<semaphore_mem>>) attributes {dimension_semantics = [#tpu.dimension_semantics<core_parallel>, #tpu.dimension_semantics<subcore_parallel>], iteration_bounds = array<i64: 2, 16>, scalar_prefetch = 0 : i64, scratch_operands = 8 : i64, tpu.core_type = #tpu.core_type<sc_vector_subcore>, window_params = [{transform_indices = #map}, {transform_indices = #map1}, {transform_indices = #map}, {transform_indices = #map2}]} {
    %eq3A = arith.constant 0 : i32
    %eq3A_0 = arith.cmpi eq, %arg0, %eq3A : i32
    %select_n3A = arith.constant 53 : i32
    %select_n3A_1 = arith.constant 105 : i32
    %select_n3A_2 = arith.select %eq3A_0, %select_n3A_1, %select_n3A : i32
    %mul3A = arith.constant 640 : i32
    %mul3A_3 = arith.muli %arg1, %mul3A : i32
    "tpu.region"() ({
      %run_scoped3A_270 = tpu.sem_alloc : memref<!tpu.dma_semaphore, #tpu.memory_space<semaphore_mem>>
      %dma_start3A_271 = arith.constant 0 : i32
      %dma_start3A_272 = tpu.memref_slice %arg11[%mul3A_3, %dma_start3A_271] : memref<10240x128xf32, #tpu.memory_space<vmem_shared>> -> memref<640x128xf32, #tpu.memory_space<vmem_shared>>
      tpu.enqueue_dma source(%arg4 : memref<640x128xf32, #tpu.memory_space<hbm>>) target(%dma_start3A_272 : memref<640x128xf32, #tpu.memory_space<vmem_shared>>) target_semaphore(%run_scoped3A_270 : memref<!tpu.dma_semaphore, #tpu.memory_space<semaphore_mem>>)
      %dma_wait3A_273 = arith.constant 0 : i32
      %dma_wait3A_274 = tpu.memref_slice %arg11[%mul3A_3, %dma_wait3A_273] : memref<10240x128xf32, #tpu.memory_space<vmem_shared>> -> memref<640x128xf32, #tpu.memory_space<vmem_shared>>
      tpu.wait_dma2 semaphore(%run_scoped3A_270 : memref<!tpu.dma_semaphore, #tpu.memory_space<semaphore_mem>>) src(%arg4 : memref<640x128xf32, #tpu.memory_space<hbm>>) dst(%dma_wait3A_274 : memref<640x128xf32, #tpu.memory_space<vmem_shared>>)
      tpu.yield
    }) : () -> ()
    "tpu.region"() ({
      %run_scoped3A_270 = tpu.sem_alloc : memref<!tpu.dma_semaphore, #tpu.memory_space<semaphore_mem>>
      %dma_start3A_271 = arith.constant 0 : i32
      %dma_start3A_272 = arith.constant 0 : i32
      %dma_start3A_273 = tpu.memref_slice %arg3[%arg0, %arg1, %dma_start3A_271, %dma_start3A_272] : memref<2x16x105x128xi32, #tpu.memory_space<hbm>> -> memref<1x1x105x128xi32, #tpu.memory_space<hbm>>
      %dma_start3A_274 = tpu.memref_squeeze %dma_start3A_273 : memref<1x1x105x128xi32, #tpu.memory_space<hbm>> -> memref<105x128xi32, #tpu.memory_space<hbm>>
      %dma_start3A_275 = arith.constant 0 : i32
      %dma_start3A_276 = arith.constant 0 : i32
      %dma_start3A_277 = tpu.memref_slice %arg3[%arg0, %arg1, %dma_start3A_275, %dma_start3A_276] : memref<2x16x105x128xi32, #tpu.memory_space<hbm>> -> memref<1x1x105x128xi32, #tpu.memory_space<hbm>>
      %dma_start3A_278 = tpu.memref_squeeze %dma_start3A_277 : memref<1x1x105x128xi32, #tpu.memory_space<hbm>> -> memref<105x128xi32, #tpu.memory_space<hbm>>
      tpu.enqueue_dma source(%dma_start3A_278 : memref<105x128xi32, #tpu.memory_space<hbm>>) target(%arg6 : memref<105x128xi32, #tpu.memory_space<vmem>>) target_semaphore(%run_scoped3A_270 : memref<!tpu.dma_semaphore, #tpu.memory_space<semaphore_mem>>)
      %dma_wait3A_279 = arith.constant 0 : i32
      %dma_wait3A_280 = arith.constant 0 : i32
      %dma_wait3A_281 = tpu.memref_slice %arg3[%arg0, %arg1, %dma_wait3A_279, %dma_wait3A_280] : memref<2x16x105x128xi32, #tpu.memory_space<hbm>> -> memref<1x1x105x128xi32, #tpu.memory_space<hbm>>
      %dma_wait3A_282 = tpu.memref_squeeze %dma_wait3A_281 : memref<1x1x105x128xi32, #tpu.memory_space<hbm>> -> memref<105x128xi32, #tpu.memory_space<hbm>>
      %dma_wait3A_283 = arith.constant 0 : i32
      %dma_wait3A_284 = arith.constant 0 : i32
      %dma_wait3A_285 = tpu.memref_slice %arg3[%arg0, %arg1, %dma_wait3A_283, %dma_wait3A_284] : memref<2x16x105x128xi32, #tpu.memory_space<hbm>> -> memref<1x1x105x128xi32, #tpu.memory_space<hbm>>
      %dma_wait3A_286 = tpu.memref_squeeze %dma_wait3A_285 : memref<1x1x105x128xi32, #tpu.memory_space<hbm>> -> memref<105x128xi32, #tpu.memory_space<hbm>>
      tpu.wait_dma2 semaphore(%run_scoped3A_270 : memref<!tpu.dma_semaphore, #tpu.memory_space<semaphore_mem>>) src(%dma_wait3A_286 : memref<105x128xi32, #tpu.memory_space<hbm>>) dst(%arg6 : memref<105x128xi32, #tpu.memory_space<vmem>>)
      tpu.yield
    }) : () -> ()
    %barrier3A = arith.constant 0 : index
    tpu.barrier barrier_id(%barrier3A)
    %get3A = arith.constant 0 : i32
    %get3A_4 = arith.index_cast %get3A : i32 to index
    %get3A_5 = arith.constant 0 : index
    %get3A_6 = tpu.vector_load %arg6[%get3A_4, %get3A_5] {strides = array<i32>} : memref<105x128xi32, #tpu.memory_space<vmem>>, vector<1x16xi32>,
    %get3A_7 = vector.shape_cast %get3A_6 : vector<1x16xi32> to vector<16xi32>
    %and3A = arith.constant 16383 : i32
    %and3A_8 = vector.broadcast %and3A : i32 to vector<16xi32>
    %and3A_9 = arith.andi %get3A_7, %and3A_8 : vector<16xi32>
    %swap3A = arith.constant 0 : i32
    %swap3A_10 = arith.index_cast %swap3A : i32 to index
    %swap3A_11 = arith.constant 0 : index
    %swap3A_12 = tpu.vector_load %arg7[%swap3A_10, %swap3A_11] {strides = array<i32>} : memref<2x128xi32, #tpu.memory_space<vmem>>, vector<1x16xi32>,
    %swap3A_13 = vector.shape_cast %swap3A_12 : vector<1x16xi32> to vector<16xi32>
    %swap3A_14 = vector.shape_cast %and3A_9 : vector<16xi32> to vector<1x16xi32>
    tpu.vector_store %arg7[%swap3A_10, %swap3A_11], %swap3A_14 {strides = array<i32>} : memref<2x128xi32, #tpu.memory_space<vmem>>, vector<1x16xi32>,
    %get3A_15 = arith.constant 0 : i32
    %get3A_16 = arith.index_cast %get3A_15 : i32 to index
    %get3A_17 = arith.constant 16 : index
    %get3A_18 = tpu.vector_load %arg6[%get3A_16, %get3A_17] {strides = array<i32>} : memref<105x128xi32, #tpu.memory_space<vmem>>, vector<1x16xi32>,
    %get3A_19 = vector.shape_cast %get3A_18 : vector<1x16xi32> to vector<16xi32>
    %and3A_20 = arith.constant 16383 : i32
    %and3A_21 = vector.broadcast %and3A_20 : i32 to vector<16xi32>
    %and3A_22 = arith.andi %get3A_19, %and3A_21 : vector<16xi32>
    %swap3A_23 = arith.constant 0 : i32
    %swap3A_24 = arith.index_cast %swap3A_23 : i32 to index
    %swap3A_25 = arith.constant 16 : index
    %swap3A_26 = tpu.vector_load %arg7[%swap3A_24, %swap3A_25] {strides = array<i32>} : memref<2x128xi32, #tpu.memory_space<vmem>>, vector<1x16xi32>,
    %swap3A_27 = vector.shape_cast %swap3A_26 : vector<1x16xi32> to vector<16xi32>
    %swap3A_28 = vector.shape_cast %and3A_22 : vector<16xi32> to vector<1x16xi32>
    tpu.vector_store %arg7[%swap3A_24, %swap3A_25], %swap3A_28 {strides = array<i32>} : memref<2x128xi32, #tpu.memory_space<vmem>>, vector<1x16xi32>,
    %get3A_29 = arith.constant 0 : i32
    %get3A_30 = arith.index_cast %get3A_29 : i32 to index
    %get3A_31 = arith.constant 32 : index
    %get3A_32 = tpu.vector_load %arg6[%get3A_30, %get3A_31] {strides = array<i32>} : memref<105x128xi32, #tpu.memory_space<vmem>>, vector<1x16xi32>,
    %get3A_33 = vector.shape_cast %get3A_32 : vector<1x16xi32> to vector<16xi32>
    %and3A_34 = arith.constant 16383 : i32
    %and3A_35 = vector.broadcast %and3A_34 : i32 to vector<16xi32>
    %and3A_36 = arith.andi %get3A_33, %and3A_35 : vector<16xi32>
    %swap3A_37 = arith.constant 0 : i32
    %swap3A_38 = arith.index_cast %swap3A_37 : i32 to index
    %swap3A_39 = arith.constant 32 : index
    %swap3A_40 = tpu.vector_load %arg7[%swap3A_38, %swap3A_39] {strides = array<i32>} : memref<2x128xi32, #tpu.memory_space<vmem>>, vector<1x16xi32>,
    %swap3A_41 = vector.shape_cast %swap3A_40 : vector<1x16xi32> to vector<16xi32>
    %swap3A_42 = vector.shape_cast %and3A_36 : vector<16xi32> to vector<1x16xi32>
    tpu.vector_store %arg7[%swap3A_38, %swap3A_39], %swap3A_42 {strides = array<i32>} : memref<2x128xi32, #tpu.memory_space<vmem>>, vector<1x16xi32>,
    %get3A_43 = arith.constant 0 : i32
    %get3A_44 = arith.index_cast %get3A_43 : i32 to index
    %get3A_45 = arith.constant 48 : index
    %get3A_46 = tpu.vector_load %arg6[%get3A_44, %get3A_45] {strides = array<i32>} : memref<105x128xi32, #tpu.memory_space<vmem>>, vector<1x16xi32>,
    %get3A_47 = vector.shape_cast %get3A_46 : vector<1x16xi32> to vector<16xi32>
    %and3A_48 = arith.constant 16383 : i32
    %and3A_49 = vector.broadcast %and3A_48 : i32 to vector<16xi32>
    %and3A_50 = arith.andi %get3A_47, %and3A_49 : vector<16xi32>
    %swap3A_51 = arith.constant 0 : i32
    %swap3A_52 = arith.index_cast %swap3A_51 : i32 to index
    %swap3A_53 = arith.constant 48 : index
    %swap3A_54 = tpu.vector_load %arg7[%swap3A_52, %swap3A_53] {strides = array<i32>} : memref<2x128xi32, #tpu.memory_space<vmem>>, vector<1x16xi32>,
    %swap3A_55 = vector.shape_cast %swap3A_54 : vector<1x16xi32> to vector<16xi32>
    %swap3A_56 = vector.shape_cast %and3A_50 : vector<16xi32> to vector<1x16xi32>
    tpu.vector_store %arg7[%swap3A_52, %swap3A_53], %swap3A_56 {strides = array<i32>} : memref<2x128xi32, #tpu.memory_space<vmem>>, vector<1x16xi32>,
    %get3A_57 = arith.constant 0 : i32
    %get3A_58 = arith.index_cast %get3A_57 : i32 to index
    %get3A_59 = arith.constant 64 : index
    %get3A_60 = tpu.vector_load %arg6[%get3A_58, %get3A_59] {strides = array<i32>} : memref<105x128xi32, #tpu.memory_space<vmem>>, vector<1x16xi32>,
    %get3A_61 = vector.shape_cast %get3A_60 : vector<1x16xi32> to vector<16xi32>
    %and3A_62 = arith.constant 16383 : i32
    %and3A_63 = vector.broadcast %and3A_62 : i32 to vector<16xi32>
    %and3A_64 = arith.andi %get3A_61, %and3A_63 : vector<16xi32>
    %swap3A_65 = arith.constant 0 : i32
    %swap3A_66 = arith.index_cast %swap3A_65 : i32 to index
    %swap3A_67 = arith.constant 64 : index
    %swap3A_68 = tpu.vector_load %arg7[%swap3A_66, %swap3A_67] {strides = array<i32>} : memref<2x128xi32, #tpu.memory_space<vmem>>, vector<1x16xi32>,
    %swap3A_69 = vector.shape_cast %swap3A_68 : vector<1x16xi32> to vector<16xi32>
    %swap3A_70 = vector.shape_cast %and3A_64 : vector<16xi32> to vector<1x16xi32>
    tpu.vector_store %arg7[%swap3A_66, %swap3A_67], %swap3A_70 {strides = array<i32>} : memref<2x128xi32, #tpu.memory_space<vmem>>, vector<1x16xi32>,
    %get3A_71 = arith.constant 0 : i32
    %get3A_72 = arith.index_cast %get3A_71 : i32 to index
    %get3A_73 = arith.constant 80 : index
    %get3A_74 = tpu.vector_load %arg6[%get3A_72, %get3A_73] {strides = array<i32>} : memref<105x128xi32, #tpu.memory_space<vmem>>, vector<1x16xi32>,
    %get3A_75 = vector.shape_cast %get3A_74 : vector<1x16xi32> to vector<16xi32>
    %and3A_76 = arith.constant 16383 : i32
    %and3A_77 = vector.broadcast %and3A_76 : i32 to vector<16xi32>
    %and3A_78 = arith.andi %get3A_75, %and3A_77 : vector<16xi32>
    %swap3A_79 = arith.constant 0 : i32
    %swap3A_80 = arith.index_cast %swap3A_79 : i32 to index
    %swap3A_81 = arith.constant 80 : index
    %swap3A_82 = tpu.vector_load %arg7[%swap3A_80, %swap3A_81] {strides = array<i32>} : memref<2x128xi32, #tpu.memory_space<vmem>>, vector<1x16xi32>,
    %swap3A_83 = vector.shape_cast %swap3A_82 : vector<1x16xi32> to vector<16xi32>
    %swap3A_84 = vector.shape_cast %and3A_78 : vector<16xi32> to vector<1x16xi32>
    tpu.vector_store %arg7[%swap3A_80, %swap3A_81], %swap3A_84 {strides = array<i32>} : memref<2x128xi32, #tpu.memory_space<vmem>>, vector<1x16xi32>,
    %get3A_85 = arith.constant 0 : i32
    %get3A_86 = arith.index_cast %get3A_85 : i32 to index
    %get3A_87 = arith.constant 96 : index
    %get3A_88 = tpu.vector_load %arg6[%get3A_86, %get3A_87] {strides = array<i32>} : memref<105x128xi32, #tpu.memory_space<vmem>>, vector<1x16xi32>,
    %get3A_89 = vector.shape_cast %get3A_88 : vector<1x16xi32> to vector<16xi32>
    %and3A_90 = arith.constant 16383 : i32
    %and3A_91 = vector.broadcast %and3A_90 : i32 to vector<16xi32>
    %and3A_92 = arith.andi %get3A_89, %and3A_91 : vector<16xi32>
    %swap3A_93 = arith.constant 0 : i32
    %swap3A_94 = arith.index_cast %swap3A_93 : i32 to index
    %swap3A_95 = arith.constant 96 : index
    %swap3A_96 = tpu.vector_load %arg7[%swap3A_94, %swap3A_95] {strides = array<i32>} : memref<2x128xi32, #tpu.memory_space<vmem>>, vector<1x16xi32>,
    %swap3A_97 = vector.shape_cast %swap3A_96 : vector<1x16xi32> to vector<16xi32>
    %swap3A_98 = vector.shape_cast %and3A_92 : vector<16xi32> to vector<1x16xi32>
    tpu.vector_store %arg7[%swap3A_94, %swap3A_95], %swap3A_98 {strides = array<i32>} : memref<2x128xi32, #tpu.memory_space<vmem>>, vector<1x16xi32>,
    %get3A_99 = arith.constant 0 : i32
    %get3A_100 = arith.index_cast %get3A_99 : i32 to index
    %get3A_101 = arith.constant 112 : index
    %get3A_102 = tpu.vector_load %arg6[%get3A_100, %get3A_101] {strides = array<i32>} : memref<105x128xi32, #tpu.memory_space<vmem>>, vector<1x16xi32>,
    %get3A_103 = vector.shape_cast %get3A_102 : vector<1x16xi32> to vector<16xi32>
    %and3A_104 = arith.constant 16383 : i32
    %and3A_105 = vector.broadcast %and3A_104 : i32 to vector<16xi32>
    %and3A_106 = arith.andi %get3A_103, %and3A_105 : vector<16xi32>
    %swap3A_107 = arith.constant 0 : i32
    %swap3A_108 = arith.index_cast %swap3A_107 : i32 to index
    %swap3A_109 = arith.constant 112 : index
    %swap3A_110 = tpu.vector_load %arg7[%swap3A_108, %swap3A_109] {strides = array<i32>} : memref<2x128xi32, #tpu.memory_space<vmem>>, vector<1x16xi32>,
    %swap3A_111 = vector.shape_cast %swap3A_110 : vector<1x16xi32> to vector<16xi32>
    %swap3A_112 = vector.shape_cast %and3A_106 : vector<16xi32> to vector<1x16xi32>
    tpu.vector_store %arg7[%swap3A_108, %swap3A_109], %swap3A_112 {strides = array<i32>} : memref<2x128xi32, #tpu.memory_space<vmem>>, vector<1x16xi32>,
    %dma_start3A = arith.constant 0 : i32
    %dma_start3A_113 = arith.constant 0 : i32
    %dma_start3A_114 = tpu.memref_slice %arg7[%dma_start3A, %dma_start3A_113] : memref<2x128xi32, #tpu.memory_space<vmem>> -> memref<1x128xi32, #tpu.memory_space<vmem>>
    %dma_start3A_115 = tpu.memref_squeeze %dma_start3A_114 : memref<1x128xi32, #tpu.memory_space<vmem>> -> memref<128xi32, #tpu.memory_space<vmem>>
    %dma_start3A_116 = arith.constant 0 : i32
    %dma_start3A_117 = arith.constant 0 : i32
    %dma_start3A_118 = tpu.memref_slice %arg2[%dma_start3A_116, %dma_start3A_117] : memref<10000x128xf32, #tpu.memory_space<hbm>> -> memref<10000x128xf32, #tpu.memory_space<hbm>>
    tpu.enqueue_indirect_dma source(%dma_start3A_118 : memref<10000x128xf32, #tpu.memory_space<hbm>>) target(%arg9 : memref<128x128xf32, #tpu.memory_space<vmem>>) offsets(%dma_start3A_115 : memref<128xi32, #tpu.memory_space<vmem>>) semaphore(%arg12 : memref<!tpu.dma_semaphore, #tpu.memory_space<semaphore_mem>>)
    %sub3A = arith.constant 1 : i32
    %sub3A_119 = arith.subi %select_n3A_2, %sub3A : i32
    %jit3A = arith.constant 2 : i32
    %div3A = arith.divsi %sub3A_119, %jit3A : i32
    %sign3A = arith.constant 0 : i32
    %sign3A_120 = arith.cmpi sgt, %sub3A_119, %sign3A : i32
    %sign3A_121 = arith.extui %sign3A_120 : i1 to i32
    %sign3A_122 = arith.constant 0 : i32
    %sign3A_123 = arith.cmpi slt, %sub3A_119, %sign3A_122 : i32
    %sign3A_124 = arith.extui %sign3A_123 : i1 to i32
    %sign3A_125 = arith.subi %sign3A_121, %sign3A_124 : i32
    %sign3A_126 = arith.constant 0 : i32
    %sign3A_127 = arith.cmpi sgt, %jit3A, %sign3A_126 : i32
    %sign3A_128 = arith.extui %sign3A_127 : i1 to i32
    %sign3A_129 = arith.constant 0 : i32
    %sign3A_130 = arith.cmpi slt, %jit3A, %sign3A_129 : i32
    %sign3A_131 = arith.extui %sign3A_130 : i1 to i32
    %sign3A_132 = arith.subi %sign3A_128, %sign3A_131 : i32
    %ne3A = arith.cmpi ne, %sign3A_125, %sign3A_132 : i32
    %rem3A = arith.remsi %sub3A_119, %jit3A : i32
    %ne3A_133 = arith.constant 0 : i32
    %ne3A_134 = arith.cmpi ne, %rem3A, %ne3A_133 : i32
    %and3A_135 = arith.andi %ne3A, %ne3A_134 : i1
    %sub3A_136 = arith.constant 1 : i32
    %sub3A_137 = arith.subi %div3A, %sub3A_136 : i32
    %select_n3A_138 = arith.select %and3A_135, %sub3A_137, %div3A : i32
    %sub3A_139 = arith.constant 0 : i32
    %sub3A_140 = arith.subi %select_n3A_138, %sub3A_139 : i32
    %sub3A_141 = arith.constant 1 : i32
    %sub3A_142 = arith.constant 1 : i32
    %sub3A_143 = arith.subi %sub3A_141, %sub3A_142 : i32
    %add3A = arith.addi %sub3A_140, %sub3A_143 : i32
    %div3A_144 = arith.constant 1 : i32
    %div3A_145 = arith.divsi %add3A, %div3A_144 : i32
    %while3A = arith.constant 1 : i32
    %while3A_146 = arith.constant 0 : i32
    %while3A_147 = arith.constant 0 : i32
    %while3A_148 = arith.subi %div3A_145, %while3A_147 : i32
    %while3A_149 = arith.addi %while3A_147, %while3A_148 : i32
    %while3A_150 = arith.constant 1 : i32
    %while3A_151 = arith.divsi %while3A_148, %while3A_150 : i32
    %while3A_152 = arith.muli %while3A_151, %while3A_150 : i32
    %while3A_153 = arith.addi %while3A_147, %while3A_152 : i32
    %while3A_154 = arith.constant 1 : i32
    scf.for %while3A_270 = %while3A_147 to %while3A_153 step %while3A_154  : i32 {
      %mul3A_271 = arith.muli %while3A_270, %while3A : i32
      %add3A_272 = arith.addi %while3A_146, %mul3A_271 : i32
      %mul3A_273 = arith.constant 2 : i32
      %mul3A_274 = arith.muli %add3A_272, %mul3A_273 : i32
      %add3A_275 = arith.constant 1 : i32
      %add3A_276 = arith.addi %mul3A_274, %add3A_275 : i32
      %get3A_277 = arith.index_cast %add3A_276 : i32 to index
      %get3A_278 = arith.constant 0 : index
      %get3A_279 = tpu.vector_load %arg6[%get3A_277, %get3A_278] {strides = array<i32>} : memref<105x128xi32, #tpu.memory_space<vmem>>, vector<1x16xi32>,
      %get3A_280 = vector.shape_cast %get3A_279 : vector<1x16xi32> to vector<16xi32>
      %and3A_281 = arith.constant 16383 : i32
      %and3A_282 = vector.broadcast %and3A_281 : i32 to vector<16xi32>
      %and3A_283 = arith.andi %get3A_280, %and3A_282 : vector<16xi32>
      %swap3A_284 = arith.constant 1 : i32
      %swap3A_285 = arith.index_cast %swap3A_284 : i32 to index
      %swap3A_286 = arith.constant 0 : index
      %swap3A_287 = tpu.vector_load %arg7[%swap3A_285, %swap3A_286] {strides = array<i32>} : memref<2x128xi32, #tpu.memory_space<vmem>>, vector<1x16xi32>,
      %swap3A_288 = vector.shape_cast %swap3A_287 : vector<1x16xi32> to vector<16xi32>
      %swap3A_289 = vector.shape_cast %and3A_283 : vector<16xi32> to vector<1x16xi32>
      tpu.vector_store %arg7[%swap3A_285, %swap3A_286], %swap3A_289 {strides = array<i32>} : memref<2x128xi32, #tpu.memory_space<vmem>>, vector<1x16xi32>,
      %get3A_290 = arith.index_cast %add3A_276 : i32 to index
      %get3A_291 = arith.constant 16 : index
      %get3A_292 = tpu.vector_load %arg6[%get3A_290, %get3A_291] {strides = array<i32>} : memref<105x128xi32, #tpu.memory_space<vmem>>, vector<1x16xi32>,
      %get3A_293 = vector.shape_cast %get3A_292 : vector<1x16xi32> to vector<16xi32>
      %and3A_294 = arith.constant 16383 : i32
      %and3A_295 = vector.broadcast %and3A_294 : i32 to vector<16xi32>
      %and3A_296 = arith.andi %get3A_293, %and3A_295 : vector<16xi32>
      %swap3A_297 = arith.constant 1 : i32
      %swap3A_298 = arith.index_cast %swap3A_297 : i32 to index
      %swap3A_299 = arith.constant 16 : index
      %swap3A_300 = tpu.vector_load %arg7[%swap3A_298, %swap3A_299] {strides = array<i32>} : memref<2x128xi32, #tpu.memory_space<vmem>>, vector<1x16xi32>,
      %swap3A_301 = vector.shape_cast %swap3A_300 : vector<1x16xi32> to vector<16xi32>
      %swap3A_302 = vector.shape_cast %and3A_296 : vector<16xi32> to vector<1x16xi32>
      tpu.vector_store %arg7[%swap3A_298, %swap3A_299], %swap3A_302 {strides = array<i32>} : memref<2x128xi32, #tpu.memory_space<vmem>>, vector<1x16xi32>,
      %get3A_303 = arith.index_cast %add3A_276 : i32 to index
      %get3A_304 = arith.constant 32 : index
      %get3A_305 = tpu.vector_load %arg6[%get3A_303, %get3A_304] {strides = array<i32>} : memref<105x128xi32, #tpu.memory_space<vmem>>, vector<1x16xi32>,
      %get3A_306 = vector.shape_cast %get3A_305 : vector<1x16xi32> to vector<16xi32>
      %and3A_307 = arith.constant 16383 : i32
      %and3A_308 = vector.broadcast %and3A_307 : i32 to vector<16xi32>
      %and3A_309 = arith.andi %get3A_306, %and3A_308 : vector<16xi32>
      %swap3A_310 = arith.constant 1 : i32
      %swap3A_311 = arith.index_cast %swap3A_310 : i32 to index
      %swap3A_312 = arith.constant 32 : index
      %swap3A_313 = tpu.vector_load %arg7[%swap3A_311, %swap3A_312] {strides = array<i32>} : memref<2x128xi32, #tpu.memory_space<vmem>>, vector<1x16xi32>,
      %swap3A_314 = vector.shape_cast %swap3A_313 : vector<1x16xi32> to vector<16xi32>
      %swap3A_315 = vector.shape_cast %and3A_309 : vector<16xi32> to vector<1x16xi32>
      tpu.vector_store %arg7[%swap3A_311, %swap3A_312], %swap3A_315 {strides = array<i32>} : memref<2x128xi32, #tpu.memory_space<vmem>>, vector<1x16xi32>,
      %get3A_316 = arith.index_cast %add3A_276 : i32 to index
      %get3A_317 = arith.constant 48 : index
      %get3A_318 = tpu.vector_load %arg6[%get3A_316, %get3A_317] {strides = array<i32>} : memref<105x128xi32, #tpu.memory_space<vmem>>, vector<1x16xi32>,
      %get3A_319 = vector.shape_cast %get3A_318 : vector<1x16xi32> to vector<16xi32>
      %and3A_320 = arith.constant 16383 : i32
      %and3A_321 = vector.broadcast %and3A_320 : i32 to vector<16xi32>
      %and3A_322 = arith.andi %get3A_319, %and3A_321 : vector<16xi32>
      %swap3A_323 = arith.constant 1 : i32
      %swap3A_324 = arith.index_cast %swap3A_323 : i32 to index
      %swap3A_325 = arith.constant 48 : index
      %swap3A_326 = tpu.vector_load %arg7[%swap3A_324, %swap3A_325] {strides = array<i32>} : memref<2x128xi32, #tpu.memory_space<vmem>>, vector<1x16xi32>,
      %swap3A_327 = vector.shape_cast %swap3A_326 : vector<1x16xi32> to vector<16xi32>
      %swap3A_328 = vector.shape_cast %and3A_322 : vector<16xi32> to vector<1x16xi32>
      tpu.vector_store %arg7[%swap3A_324, %swap3A_325], %swap3A_328 {strides = array<i32>} : memref<2x128xi32, #tpu.memory_space<vmem>>, vector<1x16xi32>,
      %get3A_329 = arith.index_cast %add3A_276 : i32 to index
      %get3A_330 = arith.constant 64 : index
      %get3A_331 = tpu.vector_load %arg6[%get3A_329, %get3A_330] {strides = array<i32>} : memref<105x128xi32, #tpu.memory_space<vmem>>, vector<1x16xi32>,
      %get3A_332 = vector.shape_cast %get3A_331 : vector<1x16xi32> to vector<16xi32>
      %and3A_333 = arith.constant 16383 : i32
      %and3A_334 = vector.broadcast %and3A_333 : i32 to vector<16xi32>
      %and3A_335 = arith.andi %get3A_332, %and3A_334 : vector<16xi32>
      %swap3A_336 = arith.constant 1 : i32
      %swap3A_337 = arith.index_cast %swap3A_336 : i32 to index
      %swap3A_338 = arith.constant 64 : index
      %swap3A_339 = tpu.vector_load %arg7[%swap3A_337, %swap3A_338] {strides = array<i32>} : memref<2x128xi32, #tpu.memory_space<vmem>>, vector<1x16xi32>,
      %swap3A_340 = vector.shape_cast %swap3A_339 : vector<1x16xi32> to vector<16xi32>
      %swap3A_341 = vector.shape_cast %and3A_335 : vector<16xi32> to vector<1x16xi32>
      tpu.vector_store %arg7[%swap3A_337, %swap3A_338], %swap3A_341 {strides = array<i32>} : memref<2x128xi32, #tpu.memory_space<vmem>>, vector<1x16xi32>,
      %get3A_342 = arith.index_cast %add3A_276 : i32 to index
      %get3A_343 = arith.constant 80 : index
      %get3A_344 = tpu.vector_load %arg6[%get3A_342, %get3A_343] {strides = array<i32>} : memref<105x128xi32, #tpu.memory_space<vmem>>, vector<1x16xi32>,
      %get3A_345 = vector.shape_cast %get3A_344 : vector<1x16xi32> to vector<16xi32>
      %and3A_346 = arith.constant 16383 : i32
      %and3A_347 = vector.broadcast %and3A_346 : i32 to vector<16xi32>
      %and3A_348 = arith.andi %get3A_345, %and3A_347 : vector<16xi32>
      %swap3A_349 = arith.constant 1 : i32
      %swap3A_350 = arith.index_cast %swap3A_349 : i32 to index
      %swap3A_351 = arith.constant 80 : index
      %swap3A_352 = tpu.vector_load %arg7[%swap3A_350, %swap3A_351] {strides = array<i32>} : memref<2x128xi32, #tpu.memory_space<vmem>>, vector<1x16xi32>,
      %swap3A_353 = vector.shape_cast %swap3A_352 : vector<1x16xi32> to vector<16xi32>
      %swap3A_354 = vector.shape_cast %and3A_348 : vector<16xi32> to vector<1x16xi32>
      tpu.vector_store %arg7[%swap3A_350, %swap3A_351], %swap3A_354 {strides = array<i32>} : memref<2x128xi32, #tpu.memory_space<vmem>>, vector<1x16xi32>,
      %get3A_355 = arith.index_cast %add3A_276 : i32 to index
      %get3A_356 = arith.constant 96 : index
      %get3A_357 = tpu.vector_load %arg6[%get3A_355, %get3A_356] {strides = array<i32>} : memref<105x128xi32, #tpu.memory_space<vmem>>, vector<1x16xi32>,
      %get3A_358 = vector.shape_cast %get3A_357 : vector<1x16xi32> to vector<16xi32>
      %and3A_359 = arith.constant 16383 : i32
      %and3A_360 = vector.broadcast %and3A_359 : i32 to vector<16xi32>
      %and3A_361 = arith.andi %get3A_358, %and3A_360 : vector<16xi32>
      %swap3A_362 = arith.constant 1 : i32
      %swap3A_363 = arith.index_cast %swap3A_362 : i32 to index
      %swap3A_364 = arith.constant 96 : index
      %swap3A_365 = tpu.vector_load %arg7[%swap3A_363, %swap3A_364] {strides = array<i32>} : memref<2x128xi32, #tpu.memory_space<vmem>>, vector<1x16xi32>,
      %swap3A_366 = vector.shape_cast %swap3A_365 : vector<1x16xi32> to vector<16xi32>
      %swap3A_367 = vector.shape_cast %and3A_361 : vector<16xi32> to vector<1x16xi32>
      tpu.vector_store %arg7[%swap3A_363, %swap3A_364], %swap3A_367 {strides = array<i32>} : memref<2x128xi32, #tpu.memory_space<vmem>>, vector<1x16xi32>,
      %get3A_368 = arith.index_cast %add3A_276 : i32 to index
      %get3A_369 = arith.constant 112 : index
      %get3A_370 = tpu.vector_load %arg6[%get3A_368, %get3A_369] {strides = array<i32>} : memref<105x128xi32, #tpu.memory_space<vmem>>, vector<1x16xi32>,
      %get3A_371 = vector.shape_cast %get3A_370 : vector<1x16xi32> to vector<16xi32>
      %and3A_372 = arith.constant 16383 : i32
      %and3A_373 = vector.broadcast %and3A_372 : i32 to vector<16xi32>
      %and3A_374 = arith.andi %get3A_371, %and3A_373 : vector<16xi32>
      %swap3A_375 = arith.constant 1 : i32
      %swap3A_376 = arith.index_cast %swap3A_375 : i32 to index
      %swap3A_377 = arith.constant 112 : index
      %swap3A_378 = tpu.vector_load %arg7[%swap3A_376, %swap3A_377] {strides = array<i32>} : memref<2x128xi32, #tpu.memory_space<vmem>>, vector<1x16xi32>,
      %swap3A_379 = vector.shape_cast %swap3A_378 : vector<1x16xi32> to vector<16xi32>
      %swap3A_380 = vector.shape_cast %and3A_374 : vector<16xi32> to vector<1x16xi32>
      tpu.vector_store %arg7[%swap3A_376, %swap3A_377], %swap3A_380 {strides = array<i32>} : memref<2x128xi32, #tpu.memory_space<vmem>>, vector<1x16xi32>,
      %dma_start3A_381 = arith.constant 1 : i32
      %dma_start3A_382 = arith.constant 0 : i32
      %dma_start3A_383 = tpu.memref_slice %arg7[%dma_start3A_381, %dma_start3A_382] : memref<2x128xi32, #tpu.memory_space<vmem>> -> memref<1x128xi32, #tpu.memory_space<vmem>>
      %dma_start3A_384 = tpu.memref_squeeze %dma_start3A_383 : memref<1x128xi32, #tpu.memory_space<vmem>> -> memref<128xi32, #tpu.memory_space<vmem>>
      %dma_start3A_385 = arith.constant 0 : i32
      %dma_start3A_386 = arith.constant 0 : i32
      %dma_start3A_387 = tpu.memref_slice %arg2[%dma_start3A_385, %dma_start3A_386] : memref<10000x128xf32, #tpu.memory_space<hbm>> -> memref<10000x128xf32, #tpu.memory_space<hbm>>
      tpu.enqueue_indirect_dma source(%dma_start3A_387 : memref<10000x128xf32, #tpu.memory_space<hbm>>) target(%arg10 : memref<128x128xf32, #tpu.memory_space<vmem>>) offsets(%dma_start3A_384 : memref<128xi32, #tpu.memory_space<vmem>>) semaphore(%arg13 : memref<!tpu.dma_semaphore, #tpu.memory_space<semaphore_mem>>)
      %get3A_388 = arith.index_cast %mul3A_274 : i32 to index
      %get3A_389 = arith.constant 0 : index
      %get3A_390 = tpu.vector_load %arg6[%get3A_388, %get3A_389] {strides = array<i32>} : memref<105x128xi32, #tpu.memory_space<vmem>>, vector<1x16xi32>,
      %get3A_391 = vector.shape_cast %get3A_390 : vector<1x16xi32> to vector<16xi32>
      %shift_right_logical3A_392 = arith.constant 14 : i32
      %shift_right_logical3A_393 = vector.broadcast %shift_right_logical3A_392 : i32 to vector<16xi32>
      %shift_right_logical3A_394 = arith.shrui %get3A_391, %shift_right_logical3A_393 : vector<16xi32>
      %swap3A_395 = arith.constant 0 : i32
      %swap3A_396 = arith.index_cast %swap3A_395 : i32 to index
      %swap3A_397 = arith.constant 0 : index
      %swap3A_398 = tpu.vector_load %arg8[%swap3A_396, %swap3A_397] {strides = array<i32>} : memref<2x128xi32, #tpu.memory_space<vmem>>, vector<1x16xi32>,
      %swap3A_399 = vector.shape_cast %swap3A_398 : vector<1x16xi32> to vector<16xi32>
      %swap3A_400 = vector.shape_cast %shift_right_logical3A_394 : vector<16xi32> to vector<1x16xi32>
      tpu.vector_store %arg8[%swap3A_396, %swap3A_397], %swap3A_400 {strides = array<i32>} : memref<2x128xi32, #tpu.memory_space<vmem>>, vector<1x16xi32>,
      %get3A_401 = arith.index_cast %mul3A_274 : i32 to index
      %get3A_402 = arith.constant 16 : index
      %get3A_403 = tpu.vector_load %arg6[%get3A_401, %get3A_402] {strides = array<i32>} : memref<105x128xi32, #tpu.memory_space<vmem>>, vector<1x16xi32>,
      %get3A_404 = vector.shape_cast %get3A_403 : vector<1x16xi32> to vector<16xi32>
      %shift_right_logical3A_405 = arith.constant 14 : i32
      %shift_right_logical3A_406 = vector.broadcast %shift_right_logical3A_405 : i32 to vector<16xi32>
      %shift_right_logical3A_407 = arith.shrui %get3A_404, %shift_right_logical3A_406 : vector<16xi32>
      %swap3A_408 = arith.constant 0 : i32
      %swap3A_409 = arith.index_cast %swap3A_408 : i32 to index
      %swap3A_410 = arith.constant 16 : index
      %swap3A_411 = tpu.vector_load %arg8[%swap3A_409, %swap3A_410] {strides = array<i32>} : memref<2x128xi32, #tpu.memory_space<vmem>>, vector<1x16xi32>,
      %swap3A_412 = vector.shape_cast %swap3A_411 : vector<1x16xi32> to vector<16xi32>
      %swap3A_413 = vector.shape_cast %shift_right_logical3A_407 : vector<16xi32> to vector<1x16xi32>
      tpu.vector_store %arg8[%swap3A_409, %swap3A_410], %swap3A_413 {strides = array<i32>} : memref<2x128xi32, #tpu.memory_space<vmem>>, vector<1x16xi32>,
      %get3A_414 = arith.index_cast %mul3A_274 : i32 to index
      %get3A_415 = arith.constant 32 : index
      %get3A_416 = tpu.vector_load %arg6[%get3A_414, %get3A_415] {strides = array<i32>} : memref<105x128xi32, #tpu.memory_space<vmem>>, vector<1x16xi32>,
      %get3A_417 = vector.shape_cast %get3A_416 : vector<1x16xi32> to vector<16xi32>
      %shift_right_logical3A_418 = arith.constant 14 : i32
      %shift_right_logical3A_419 = vector.broadcast %shift_right_logical3A_418 : i32 to vector<16xi32>
      %shift_right_logical3A_420 = arith.shrui %get3A_417, %shift_right_logical3A_419 : vector<16xi32>
      %swap3A_421 = arith.constant 0 : i32
      %swap3A_422 = arith.index_cast %swap3A_421 : i32 to index
      %swap3A_423 = arith.constant 32 : index
      %swap3A_424 = tpu.vector_load %arg8[%swap3A_422, %swap3A_423] {strides = array<i32>} : memref<2x128xi32, #tpu.memory_space<vmem>>, vector<1x16xi32>,
      %swap3A_425 = vector.shape_cast %swap3A_424 : vector<1x16xi32> to vector<16xi32>
      %swap3A_426 = vector.shape_cast %shift_right_logical3A_420 : vector<16xi32> to vector<1x16xi32>
      tpu.vector_store %arg8[%swap3A_422, %swap3A_423], %swap3A_426 {strides = array<i32>} : memref<2x128xi32, #tpu.memory_space<vmem>>, vector<1x16xi32>,
      %get3A_427 = arith.index_cast %mul3A_274 : i32 to index
      %get3A_428 = arith.constant 48 : index
      %get3A_429 = tpu.vector_load %arg6[%get3A_427, %get3A_428] {strides = array<i32>} : memref<105x128xi32, #tpu.memory_space<vmem>>, vector<1x16xi32>,
      %get3A_430 = vector.shape_cast %get3A_429 : vector<1x16xi32> to vector<16xi32>
      %shift_right_logical3A_431 = arith.constant 14 : i32
      %shift_right_logical3A_432 = vector.broadcast %shift_right_logical3A_431 : i32 to vector<16xi32>
      %shift_right_logical3A_433 = arith.shrui %get3A_430, %shift_right_logical3A_432 : vector<16xi32>
      %swap3A_434 = arith.constant 0 : i32
      %swap3A_435 = arith.index_cast %swap3A_434 : i32 to index
      %swap3A_436 = arith.constant 48 : index
      %swap3A_437 = tpu.vector_load %arg8[%swap3A_435, %swap3A_436] {strides = array<i32>} : memref<2x128xi32, #tpu.memory_space<vmem>>, vector<1x16xi32>,
      %swap3A_438 = vector.shape_cast %swap3A_437 : vector<1x16xi32> to vector<16xi32>
      %swap3A_439 = vector.shape_cast %shift_right_logical3A_433 : vector<16xi32> to vector<1x16xi32>
      tpu.vector_store %arg8[%swap3A_435, %swap3A_436], %swap3A_439 {strides = array<i32>} : memref<2x128xi32, #tpu.memory_space<vmem>>, vector<1x16xi32>,
      %get3A_440 = arith.index_cast %mul3A_274 : i32 to index
      %get3A_441 = arith.constant 64 : index
      %get3A_442 = tpu.vector_load %arg6[%get3A_440, %get3A_441] {strides = array<i32>} : memref<105x128xi32, #tpu.memory_space<vmem>>, vector<1x16xi32>,
      %get3A_443 = vector.shape_cast %get3A_442 : vector<1x16xi32> to vector<16xi32>
      %shift_right_logical3A_444 = arith.constant 14 : i32
      %shift_right_logical3A_445 = vector.broadcast %shift_right_logical3A_444 : i32 to vector<16xi32>
      %shift_right_logical3A_446 = arith.shrui %get3A_443, %shift_right_logical3A_445 : vector<16xi32>
      %swap3A_447 = arith.constant 0 : i32
      %swap3A_448 = arith.index_cast %swap3A_447 : i32 to index
      %swap3A_449 = arith.constant 64 : index
      %swap3A_450 = tpu.vector_load %arg8[%swap3A_448, %swap3A_449] {strides = array<i32>} : memref<2x128xi32, #tpu.memory_space<vmem>>, vector<1x16xi32>,
      %swap3A_451 = vector.shape_cast %swap3A_450 : vector<1x16xi32> to vector<16xi32>
      %swap3A_452 = vector.shape_cast %shift_right_logical3A_446 : vector<16xi32> to vector<1x16xi32>
      tpu.vector_store %arg8[%swap3A_448, %swap3A_449], %swap3A_452 {strides = array<i32>} : memref<2x128xi32, #tpu.memory_space<vmem>>, vector<1x16xi32>,
      %get3A_453 = arith.index_cast %mul3A_274 : i32 to index
      %get3A_454 = arith.constant 80 : index
      %get3A_455 = tpu.vector_load %arg6[%get3A_453, %get3A_454] {strides = array<i32>} : memref<105x128xi32, #tpu.memory_space<vmem>>, vector<1x16xi32>,
      %get3A_456 = vector.shape_cast %get3A_455 : vector<1x16xi32> to vector<16xi32>
      %shift_right_logical3A_457 = arith.constant 14 : i32
      %shift_right_logical3A_458 = vector.broadcast %shift_right_logical3A_457 : i32 to vector<16xi32>
      %shift_right_logical3A_459 = arith.shrui %get3A_456, %shift_right_logical3A_458 : vector<16xi32>
      %swap3A_460 = arith.constant 0 : i32
      %swap3A_461 = arith.index_cast %swap3A_460 : i32 to index
      %swap3A_462 = arith.constant 80 : index
      %swap3A_463 = tpu.vector_load %arg8[%swap3A_461, %swap3A_462] {strides = array<i32>} : memref<2x128xi32, #tpu.memory_space<vmem>>, vector<1x16xi32>,
      %swap3A_464 = vector.shape_cast %swap3A_463 : vector<1x16xi32> to vector<16xi32>
      %swap3A_465 = vector.shape_cast %shift_right_logical3A_459 : vector<16xi32> to vector<1x16xi32>
      tpu.vector_store %arg8[%swap3A_461, %swap3A_462], %swap3A_465 {strides = array<i32>} : memref<2x128xi32, #tpu.memory_space<vmem>>, vector<1x16xi32>,
      %get3A_466 = arith.index_cast %mul3A_274 : i32 to index
      %get3A_467 = arith.constant 96 : index
      %get3A_468 = tpu.vector_load %arg6[%get3A_466, %get3A_467] {strides = array<i32>} : memref<105x128xi32, #tpu.memory_space<vmem>>, vector<1x16xi32>,
      %get3A_469 = vector.shape_cast %get3A_468 : vector<1x16xi32> to vector<16xi32>
      %shift_right_logical3A_470 = arith.constant 14 : i32
      %shift_right_logical3A_471 = vector.broadcast %shift_right_logical3A_470 : i32 to vector<16xi32>
      %shift_right_logical3A_472 = arith.shrui %get3A_469, %shift_right_logical3A_471 : vector<16xi32>
      %swap3A_473 = arith.constant 0 : i32
      %swap3A_474 = arith.index_cast %swap3A_473 : i32 to index
      %swap3A_475 = arith.constant 96 : index
      %swap3A_476 = tpu.vector_load %arg8[%swap3A_474, %swap3A_475] {strides = array<i32>} : memref<2x128xi32, #tpu.memory_space<vmem>>, vector<1x16xi32>,
      %swap3A_477 = vector.shape_cast %swap3A_476 : vector<1x16xi32> to vector<16xi32>
      %swap3A_478 = vector.shape_cast %shift_right_logical3A_472 : vector<16xi32> to vector<1x16xi32>
      tpu.vector_store %arg8[%swap3A_474, %swap3A_475], %swap3A_478 {strides = array<i32>} : memref<2x128xi32, #tpu.memory_space<vmem>>, vector<1x16xi32>,
      %get3A_479 = arith.index_cast %mul3A_274 : i32 to index
      %get3A_480 = arith.constant 112 : index
      %get3A_481 = tpu.vector_load %arg6[%get3A_479, %get3A_480] {strides = array<i32>} : memref<105x128xi32, #tpu.memory_space<vmem>>, vector<1x16xi32>,
      %get3A_482 = vector.shape_cast %get3A_481 : vector<1x16xi32> to vector<16xi32>
      %shift_right_logical3A_483 = arith.constant 14 : i32
      %shift_right_logical3A_484 = vector.broadcast %shift_right_logical3A_483 : i32 to vector<16xi32>
      %shift_right_logical3A_485 = arith.shrui %get3A_482, %shift_right_logical3A_484 : vector<16xi32>
      %swap3A_486 = arith.constant 0 : i32
      %swap3A_487 = arith.index_cast %swap3A_486 : i32 to index
      %swap3A_488 = arith.constant 112 : index
      %swap3A_489 = tpu.vector_load %arg8[%swap3A_487, %swap3A_488] {strides = array<i32>} : memref<2x128xi32, #tpu.memory_space<vmem>>, vector<1x16xi32>,
      %swap3A_490 = vector.shape_cast %swap3A_489 : vector<1x16xi32> to vector<16xi32>
      %swap3A_491 = vector.shape_cast %shift_right_logical3A_485 : vector<16xi32> to vector<1x16xi32>
      tpu.vector_store %arg8[%swap3A_487, %swap3A_488], %swap3A_491 {strides = array<i32>} : memref<2x128xi32, #tpu.memory_space<vmem>>, vector<1x16xi32>,
      %dma_wait3A_492 = arith.constant 0 : i32
      %dma_wait3A_493 = arith.constant 0 : i32
      %dma_wait3A_494 = tpu.memref_slice %arg7[%dma_wait3A_492, %dma_wait3A_493] : memref<2x128xi32, #tpu.memory_space<vmem>> -> memref<1x128xi32, #tpu.memory_space<vmem>>
      %dma_wait3A_495 = tpu.memref_squeeze %dma_wait3A_494 : memref<1x128xi32, #tpu.memory_space<vmem>> -> memref<128xi32, #tpu.memory_space<vmem>>
      %dma_wait3A_496 = arith.constant 0 : i32
      %dma_wait3A_497 = arith.constant 0 : i32
      %dma_wait3A_498 = tpu.memref_slice %arg2[%dma_wait3A_496, %dma_wait3A_497] : memref<10000x128xf32, #tpu.memory_space<hbm>> -> memref<10000x128xf32, #tpu.memory_space<hbm>>
      tpu.wait_indirect_dma semaphore(%arg12 : memref<!tpu.dma_semaphore, #tpu.memory_space<semaphore_mem>>) src(%dma_wait3A_498 : memref<10000x128xf32, #tpu.memory_space<hbm>>) dst(%arg9 : memref<128x128xf32, #tpu.memory_space<vmem>>)
      %run_scoped3A_499 = arith.constant 0 : i32
      "tpu.region"() ({
        %run_scoped3A_727 = tpu.sem_alloc : memref<!tpu.dma_semaphore, #tpu.memory_space<semaphore_mem>>
        %dma_start3A_728 = arith.constant 0 : i32
        %dma_start3A_729 = tpu.memref_slice %arg8[%run_scoped3A_499, %dma_start3A_728] : memref<2x128xi32, #tpu.memory_space<vmem>> -> memref<1x128xi32, #tpu.memory_space<vmem>>
        %dma_start3A_730 = tpu.memref_squeeze %dma_start3A_729 : memref<1x128xi32, #tpu.memory_space<vmem>> -> memref<128xi32, #tpu.memory_space<vmem>>
        %dma_start3A_731 = arith.constant 0 : i32
        %dma_start3A_732 = arith.constant 0 : i32
        %dma_start3A_733 = tpu.memref_slice %arg11[%dma_start3A_731, %dma_start3A_732] : memref<10240x128xf32, #tpu.memory_space<vmem_shared>> -> memref<10240x128xf32, #tpu.memory_space<vmem_shared>>
        tpu.enqueue_indirect_dma source(%arg9 : memref<128x128xf32, #tpu.memory_space<vmem>>) target(%dma_start3A_733 : memref<10240x128xf32, #tpu.memory_space<vmem_shared>>) offsets(%dma_start3A_730 : memref<128xi32, #tpu.memory_space<vmem>>) semaphore(%run_scoped3A_727 : memref<!tpu.dma_semaphore, #tpu.memory_space<semaphore_mem>>) {add = true}
        %dma_wait3A_734 = arith.constant 0 : i32
        %dma_wait3A_735 = tpu.memref_slice %arg8[%run_scoped3A_499, %dma_wait3A_734] : memref<2x128xi32, #tpu.memory_space<vmem>> -> memref<1x128xi32, #tpu.memory_space<vmem>>
        %dma_wait3A_736 = tpu.memref_squeeze %dma_wait3A_735 : memref<1x128xi32, #tpu.memory_space<vmem>> -> memref<128xi32, #tpu.memory_space<vmem>>
        %dma_wait3A_737 = arith.constant 0 : i32
        %dma_wait3A_738 = arith.constant 0 : i32
        %dma_wait3A_739 = tpu.memref_slice %arg11[%dma_wait3A_737, %dma_wait3A_738] : memref<10240x128xf32, #tpu.memory_space<vmem_shared>> -> memref<10240x128xf32, #tpu.memory_space<vmem_shared>>
        tpu.wait_indirect_dma semaphore(%run_scoped3A_727 : memref<!tpu.dma_semaphore, #tpu.memory_space<semaphore_mem>>) src(%arg9 : memref<128x128xf32, #tpu.memory_space<vmem>>) dst(%dma_wait3A_739 : memref<10240x128xf32, #tpu.memory_space<vmem_shared>>)
        tpu.yield
      }) : () -> ()
      %add3A_500 = arith.constant 1 : i32
      %add3A_501 = arith.addi %mul3A_274, %add3A_500 : i32
      %add3A_502 = arith.constant 1 : i32
      %add3A_503 = arith.addi %add3A_501, %add3A_502 : i32
      %get3A_504 = arith.index_cast %add3A_503 : i32 to index
      %get3A_505 = arith.constant 0 : index
      %get3A_506 = tpu.vector_load %arg6[%get3A_504, %get3A_505] {strides = array<i32>} : memref<105x128xi32, #tpu.memory_space<vmem>>, vector<1x16xi32>,
      %get3A_507 = vector.shape_cast %get3A_506 : vector<1x16xi32> to vector<16xi32>
      %and3A_508 = arith.constant 16383 : i32
      %and3A_509 = vector.broadcast %and3A_508 : i32 to vector<16xi32>
      %and3A_510 = arith.andi %get3A_507, %and3A_509 : vector<16xi32>
      %swap3A_511 = arith.constant 0 : i32
      %swap3A_512 = arith.index_cast %swap3A_511 : i32 to index
      %swap3A_513 = arith.constant 0 : index
      %swap3A_514 = tpu.vector_load %arg7[%swap3A_512, %swap3A_513] {strides = array<i32>} : memref<2x128xi32, #tpu.memory_space<vmem>>, vector<1x16xi32>,
      %swap3A_515 = vector.shape_cast %swap3A_514 : vector<1x16xi32> to vector<16xi32>
      %swap3A_516 = vector.shape_cast %and3A_510 : vector<16xi32> to vector<1x16xi32>
      tpu.vector_store %arg7[%swap3A_512, %swap3A_513], %swap3A_516 {strides = array<i32>} : memref<2x128xi32, #tpu.memory_space<vmem>>, vector<1x16xi32>,
      %get3A_517 = arith.index_cast %add3A_503 : i32 to index
      %get3A_518 = arith.constant 16 : index
      %get3A_519 = tpu.vector_load %arg6[%get3A_517, %get3A_518] {strides = array<i32>} : memref<105x128xi32, #tpu.memory_space<vmem>>, vector<1x16xi32>,
      %get3A_520 = vector.shape_cast %get3A_519 : vector<1x16xi32> to vector<16xi32>
      %and3A_521 = arith.constant 16383 : i32
      %and3A_522 = vector.broadcast %and3A_521 : i32 to vector<16xi32>
      %and3A_523 = arith.andi %get3A_520, %and3A_522 : vector<16xi32>
      %swap3A_524 = arith.constant 0 : i32
      %swap3A_525 = arith.index_cast %swap3A_524 : i32 to index
      %swap3A_526 = arith.constant 16 : index
      %swap3A_527 = tpu.vector_load %arg7[%swap3A_525, %swap3A_526] {strides = array<i32>} : memref<2x128xi32, #tpu.memory_space<vmem>>, vector<1x16xi32>,
      %swap3A_528 = vector.shape_cast %swap3A_527 : vector<1x16xi32> to vector<16xi32>
      %swap3A_529 = vector.shape_cast %and3A_523 : vector<16xi32> to vector<1x16xi32>
      tpu.vector_store %arg7[%swap3A_525, %swap3A_526], %swap3A_529 {strides = array<i32>} : memref<2x128xi32, #tpu.memory_space<vmem>>, vector<1x16xi32>,
      %get3A_530 = arith.index_cast %add3A_503 : i32 to index
      %get3A_531 = arith.constant 32 : index
      %get3A_532 = tpu.vector_load %arg6[%get3A_530, %get3A_531] {strides = array<i32>} : memref<105x128xi32, #tpu.memory_space<vmem>>, vector<1x16xi32>,
      %get3A_533 = vector.shape_cast %get3A_532 : vector<1x16xi32> to vector<16xi32>
      %and3A_534 = arith.constant 16383 : i32
      %and3A_535 = vector.broadcast %and3A_534 : i32 to vector<16xi32>
      %and3A_536 = arith.andi %get3A_533, %and3A_535 : vector<16xi32>
      %swap3A_537 = arith.constant 0 : i32
      %swap3A_538 = arith.index_cast %swap3A_537 : i32 to index
      %swap3A_539 = arith.constant 32 : index
      %swap3A_540 = tpu.vector_load %arg7[%swap3A_538, %swap3A_539] {strides = array<i32>} : memref<2x128xi32, #tpu.memory_space<vmem>>, vector<1x16xi32>,
      %swap3A_541 = vector.shape_cast %swap3A_540 : vector<1x16xi32> to vector<16xi32>
      %swap3A_542 = vector.shape_cast %and3A_536 : vector<16xi32> to vector<1x16xi32>
      tpu.vector_store %arg7[%swap3A_538, %swap3A_539], %swap3A_542 {strides = array<i32>} : memref<2x128xi32, #tpu.memory_space<vmem>>, vector<1x16xi32>,
      %get3A_543 = arith.index_cast %add3A_503 : i32 to index
      %get3A_544 = arith.constant 48 : index
      %get3A_545 = tpu.vector_load %arg6[%get3A_543, %get3A_544] {strides = array<i32>} : memref<105x128xi32, #tpu.memory_space<vmem>>, vector<1x16xi32>,
      %get3A_546 = vector.shape_cast %get3A_545 : vector<1x16xi32> to vector<16xi32>
      %and3A_547 = arith.constant 16383 : i32
      %and3A_548 = vector.broadcast %and3A_547 : i32 to vector<16xi32>
      %and3A_549 = arith.andi %get3A_546, %and3A_548 : vector<16xi32>
      %swap3A_550 = arith.constant 0 : i32
      %swap3A_551 = arith.index_cast %swap3A_550 : i32 to index
      %swap3A_552 = arith.constant 48 : index
      %swap3A_553 = tpu.vector_load %arg7[%swap3A_551, %swap3A_552] {strides = array<i32>} : memref<2x128xi32, #tpu.memory_space<vmem>>, vector<1x16xi32>,
      %swap3A_554 = vector.shape_cast %swap3A_553 : vector<1x16xi32> to vector<16xi32>
      %swap3A_555 = vector.shape_cast %and3A_549 : vector<16xi32> to vector<1x16xi32>
      tpu.vector_store %arg7[%swap3A_551, %swap3A_552], %swap3A_555 {strides = array<i32>} : memref<2x128xi32, #tpu.memory_space<vmem>>, vector<1x16xi32>,
      %get3A_556 = arith.index_cast %add3A_503 : i32 to index
      %get3A_557 = arith.constant 64 : index
      %get3A_558 = tpu.vector_load %arg6[%get3A_556, %get3A_557] {strides = array<i32>} : memref<105x128xi32, #tpu.memory_space<vmem>>, vector<1x16xi32>,
      %get3A_559 = vector.shape_cast %get3A_558 : vector<1x16xi32> to vector<16xi32>
      %and3A_560 = arith.constant 16383 : i32
      %and3A_561 = vector.broadcast %and3A_560 : i32 to vector<16xi32>
      %and3A_562 = arith.andi %get3A_559, %and3A_561 : vector<16xi32>
      %swap3A_563 = arith.constant 0 : i32
      %swap3A_564 = arith.index_cast %swap3A_563 : i32 to index
      %swap3A_565 = arith.constant 64 : index
      %swap3A_566 = tpu.vector_load %arg7[%swap3A_564, %swap3A_565] {strides = array<i32>} : memref<2x128xi32, #tpu.memory_space<vmem>>, vector<1x16xi32>,
      %swap3A_567 = vector.shape_cast %swap3A_566 : vector<1x16xi32> to vector<16xi32>
      %swap3A_568 = vector.shape_cast %and3A_562 : vector<16xi32> to vector<1x16xi32>
      tpu.vector_store %arg7[%swap3A_564, %swap3A_565], %swap3A_568 {strides = array<i32>} : memref<2x128xi32, #tpu.memory_space<vmem>>, vector<1x16xi32>,
      %get3A_569 = arith.index_cast %add3A_503 : i32 to index
      %get3A_570 = arith.constant 80 : index
      %get3A_571 = tpu.vector_load %arg6[%get3A_569, %get3A_570] {strides = array<i32>} : memref<105x128xi32, #tpu.memory_space<vmem>>, vector<1x16xi32>,
      %get3A_572 = vector.shape_cast %get3A_571 : vector<1x16xi32> to vector<16xi32>
      %and3A_573 = arith.constant 16383 : i32
      %and3A_574 = vector.broadcast %and3A_573 : i32 to vector<16xi32>
      %and3A_575 = arith.andi %get3A_572, %and3A_574 : vector<16xi32>
      %swap3A_576 = arith.constant 0 : i32
      %swap3A_577 = arith.index_cast %swap3A_576 : i32 to index
      %swap3A_578 = arith.constant 80 : index
      %swap3A_579 = tpu.vector_load %arg7[%swap3A_577, %swap3A_578] {strides = array<i32>} : memref<2x128xi32, #tpu.memory_space<vmem>>, vector<1x16xi32>,
      %swap3A_580 = vector.shape_cast %swap3A_579 : vector<1x16xi32> to vector<16xi32>
      %swap3A_581 = vector.shape_cast %and3A_575 : vector<16xi32> to vector<1x16xi32>
      tpu.vector_store %arg7[%swap3A_577, %swap3A_578], %swap3A_581 {strides = array<i32>} : memref<2x128xi32, #tpu.memory_space<vmem>>, vector<1x16xi32>,
      %get3A_582 = arith.index_cast %add3A_503 : i32 to index
      %get3A_583 = arith.constant 96 : index
      %get3A_584 = tpu.vector_load %arg6[%get3A_582, %get3A_583] {strides = array<i32>} : memref<105x128xi32, #tpu.memory_space<vmem>>, vector<1x16xi32>,
      %get3A_585 = vector.shape_cast %get3A_584 : vector<1x16xi32> to vector<16xi32>
      %and3A_586 = arith.constant 16383 : i32
      %and3A_587 = vector.broadcast %and3A_586 : i32 to vector<16xi32>
      %and3A_588 = arith.andi %get3A_585, %and3A_587 : vector<16xi32>
      %swap3A_589 = arith.constant 0 : i32
      %swap3A_590 = arith.index_cast %swap3A_589 : i32 to index
      %swap3A_591 = arith.constant 96 : index
      %swap3A_592 = tpu.vector_load %arg7[%swap3A_590, %swap3A_591] {strides = array<i32>} : memref<2x128xi32, #tpu.memory_space<vmem>>, vector<1x16xi32>,
      %swap3A_593 = vector.shape_cast %swap3A_592 : vector<1x16xi32> to vector<16xi32>
      %swap3A_594 = vector.shape_cast %and3A_588 : vector<16xi32> to vector<1x16xi32>
      tpu.vector_store %arg7[%swap3A_590, %swap3A_591], %swap3A_594 {strides = array<i32>} : memref<2x128xi32, #tpu.memory_space<vmem>>, vector<1x16xi32>,
      %get3A_595 = arith.index_cast %add3A_503 : i32 to index
      %get3A_596 = arith.constant 112 : index
      %get3A_597 = tpu.vector_load %arg6[%get3A_595, %get3A_596] {strides = array<i32>} : memref<105x128xi32, #tpu.memory_space<vmem>>, vector<1x16xi32>,
      %get3A_598 = vector.shape_cast %get3A_597 : vector<1x16xi32> to vector<16xi32>
      %and3A_599 = arith.constant 16383 : i32
      %and3A_600 = vector.broadcast %and3A_599 : i32 to vector<16xi32>
      %and3A_601 = arith.andi %get3A_598, %and3A_600 : vector<16xi32>
      %swap3A_602 = arith.constant 0 : i32
      %swap3A_603 = arith.index_cast %swap3A_602 : i32 to index
      %swap3A_604 = arith.constant 112 : index
      %swap3A_605 = tpu.vector_load %arg7[%swap3A_603, %swap3A_604] {strides = array<i32>} : memref<2x128xi32, #tpu.memory_space<vmem>>, vector<1x16xi32>,
      %swap3A_606 = vector.shape_cast %swap3A_605 : vector<1x16xi32> to vector<16xi32>
      %swap3A_607 = vector.shape_cast %and3A_601 : vector<16xi32> to vector<1x16xi32>
      tpu.vector_store %arg7[%swap3A_603, %swap3A_604], %swap3A_607 {strides = array<i32>} : memref<2x128xi32, #tpu.memory_space<vmem>>, vector<1x16xi32>,
      %dma_start3A_608 = arith.constant 0 : i32
      %dma_start3A_609 = arith.constant 0 : i32
      %dma_start3A_610 = tpu.memref_slice %arg7[%dma_start3A_608, %dma_start3A_609] : memref<2x128xi32, #tpu.memory_space<vmem>> -> memref<1x128xi32, #tpu.memory_space<vmem>>
      %dma_start3A_611 = tpu.memref_squeeze %dma_start3A_610 : memref<1x128xi32, #tpu.memory_space<vmem>> -> memref<128xi32, #tpu.memory_space<vmem>>
      %dma_start3A_612 = arith.constant 0 : i32
      %dma_start3A_613 = arith.constant 0 : i32
      %dma_start3A_614 = tpu.memref_slice %arg2[%dma_start3A_612, %dma_start3A_613] : memref<10000x128xf32, #tpu.memory_space<hbm>> -> memref<10000x128xf32, #tpu.memory_space<hbm>>
      tpu.enqueue_indirect_dma source(%dma_start3A_614 : memref<10000x128xf32, #tpu.memory_space<hbm>>) target(%arg9 : memref<128x128xf32, #tpu.memory_space<vmem>>) offsets(%dma_start3A_611 : memref<128xi32, #tpu.memory_space<vmem>>) semaphore(%arg12 : memref<!tpu.dma_semaphore, #tpu.memory_space<semaphore_mem>>)
      %get3A_615 = arith.index_cast %add3A_501 : i32 to index
      %get3A_616 = arith.constant 0 : index
      %get3A_617 = tpu.vector_load %arg6[%get3A_615, %get3A_616] {strides = array<i32>} : memref<105x128xi32, #tpu.memory_space<vmem>>, vector<1x16xi32>,
      %get3A_618 = vector.shape_cast %get3A_617 : vector<1x16xi32> to vector<16xi32>
      %shift_right_logical3A_619 = arith.constant 14 : i32
      %shift_right_logical3A_620 = vector.broadcast %shift_right_logical3A_619 : i32 to vector<16xi32>
      %shift_right_logical3A_621 = arith.shrui %get3A_618, %shift_right_logical3A_620 : vector<16xi32>
      %swap3A_622 = arith.constant 1 : i32
      %swap3A_623 = arith.index_cast %swap3A_622 : i32 to index
      %swap3A_624 = arith.constant 0 : index
      %swap3A_625 = tpu.vector_load %arg8[%swap3A_623, %swap3A_624] {strides = array<i32>} : memref<2x128xi32, #tpu.memory_space<vmem>>, vector<1x16xi32>,
      %swap3A_626 = vector.shape_cast %swap3A_625 : vector<1x16xi32> to vector<16xi32>
      %swap3A_627 = vector.shape_cast %shift_right_logical3A_621 : vector<16xi32> to vector<1x16xi32>
      tpu.vector_store %arg8[%swap3A_623, %swap3A_624], %swap3A_627 {strides = array<i32>} : memref<2x128xi32, #tpu.memory_space<vmem>>, vector<1x16xi32>,
      %get3A_628 = arith.index_cast %add3A_501 : i32 to index
      %get3A_629 = arith.constant 16 : index
      %get3A_630 = tpu.vector_load %arg6[%get3A_628, %get3A_629] {strides = array<i32>} : memref<105x128xi32, #tpu.memory_space<vmem>>, vector<1x16xi32>,
      %get3A_631 = vector.shape_cast %get3A_630 : vector<1x16xi32> to vector<16xi32>
      %shift_right_logical3A_632 = arith.constant 14 : i32
      %shift_right_logical3A_633 = vector.broadcast %shift_right_logical3A_632 : i32 to vector<16xi32>
      %shift_right_logical3A_634 = arith.shrui %get3A_631, %shift_right_logical3A_633 : vector<16xi32>
      %swap3A_635 = arith.constant 1 : i32
      %swap3A_636 = arith.index_cast %swap3A_635 : i32 to index
      %swap3A_637 = arith.constant 16 : index
      %swap3A_638 = tpu.vector_load %arg8[%swap3A_636, %swap3A_637] {strides = array<i32>} : memref<2x128xi32, #tpu.memory_space<vmem>>, vector<1x16xi32>,
      %swap3A_639 = vector.shape_cast %swap3A_638 : vector<1x16xi32> to vector<16xi32>
      %swap3A_640 = vector.shape_cast %shift_right_logical3A_634 : vector<16xi32> to vector<1x16xi32>
      tpu.vector_store %arg8[%swap3A_636, %swap3A_637], %swap3A_640 {strides = array<i32>} : memref<2x128xi32, #tpu.memory_space<vmem>>, vector<1x16xi32>,
      %get3A_641 = arith.index_cast %add3A_501 : i32 to index
      %get3A_642 = arith.constant 32 : index
      %get3A_643 = tpu.vector_load %arg6[%get3A_641, %get3A_642] {strides = array<i32>} : memref<105x128xi32, #tpu.memory_space<vmem>>, vector<1x16xi32>,
      %get3A_644 = vector.shape_cast %get3A_643 : vector<1x16xi32> to vector<16xi32>
      %shift_right_logical3A_645 = arith.constant 14 : i32
      %shift_right_logical3A_646 = vector.broadcast %shift_right_logical3A_645 : i32 to vector<16xi32>
      %shift_right_logical3A_647 = arith.shrui %get3A_644, %shift_right_logical3A_646 : vector<16xi32>
      %swap3A_648 = arith.constant 1 : i32
      %swap3A_649 = arith.index_cast %swap3A_648 : i32 to index
      %swap3A_650 = arith.constant 32 : index
      %swap3A_651 = tpu.vector_load %arg8[%swap3A_649, %swap3A_650] {strides = array<i32>} : memref<2x128xi32, #tpu.memory_space<vmem>>, vector<1x16xi32>,
      %swap3A_652 = vector.shape_cast %swap3A_651 : vector<1x16xi32> to vector<16xi32>
      %swap3A_653 = vector.shape_cast %shift_right_logical3A_647 : vector<16xi32> to vector<1x16xi32>
      tpu.vector_store %arg8[%swap3A_649, %swap3A_650], %swap3A_653 {strides = array<i32>} : memref<2x128xi32, #tpu.memory_space<vmem>>, vector<1x16xi32>,
      %get3A_654 = arith.index_cast %add3A_501 : i32 to index
      %get3A_655 = arith.constant 48 : index
      %get3A_656 = tpu.vector_load %arg6[%get3A_654, %get3A_655] {strides = array<i32>} : memref<105x128xi32, #tpu.memory_space<vmem>>, vector<1x16xi32>,
      %get3A_657 = vector.shape_cast %get3A_656 : vector<1x16xi32> to vector<16xi32>
      %shift_right_logical3A_658 = arith.constant 14 : i32
      %shift_right_logical3A_659 = vector.broadcast %shift_right_logical3A_658 : i32 to vector<16xi32>
      %shift_right_logical3A_660 = arith.shrui %get3A_657, %shift_right_logical3A_659 : vector<16xi32>
      %swap3A_661 = arith.constant 1 : i32
      %swap3A_662 = arith.index_cast %swap3A_661 : i32 to index
      %swap3A_663 = arith.constant 48 : index
      %swap3A_664 = tpu.vector_load %arg8[%swap3A_662, %swap3A_663] {strides = array<i32>} : memref<2x128xi32, #tpu.memory_space<vmem>>, vector<1x16xi32>,
      %swap3A_665 = vector.shape_cast %swap3A_664 : vector<1x16xi32> to vector<16xi32>
      %swap3A_666 = vector.shape_cast %shift_right_logical3A_660 : vector<16xi32> to vector<1x16xi32>
      tpu.vector_store %arg8[%swap3A_662, %swap3A_663], %swap3A_666 {strides = array<i32>} : memref<2x128xi32, #tpu.memory_space<vmem>>, vector<1x16xi32>,
      %get3A_667 = arith.index_cast %add3A_501 : i32 to index
      %get3A_668 = arith.constant 64 : index
      %get3A_669 = tpu.vector_load %arg6[%get3A_667, %get3A_668] {strides = array<i32>} : memref<105x128xi32, #tpu.memory_space<vmem>>, vector<1x16xi32>,
      %get3A_670 = vector.shape_cast %get3A_669 : vector<1x16xi32> to vector<16xi32>
      %shift_right_logical3A_671 = arith.constant 14 : i32
      %shift_right_logical3A_672 = vector.broadcast %shift_right_logical3A_671 : i32 to vector<16xi32>
      %shift_right_logical3A_673 = arith.shrui %get3A_670, %shift_right_logical3A_672 : vector<16xi32>
      %swap3A_674 = arith.constant 1 : i32
      %swap3A_675 = arith.index_cast %swap3A_674 : i32 to index
      %swap3A_676 = arith.constant 64 : index
      %swap3A_677 = tpu.vector_load %arg8[%swap3A_675, %swap3A_676] {strides = array<i32>} : memref<2x128xi32, #tpu.memory_space<vmem>>, vector<1x16xi32>,
      %swap3A_678 = vector.shape_cast %swap3A_677 : vector<1x16xi32> to vector<16xi32>
      %swap3A_679 = vector.shape_cast %shift_right_logical3A_673 : vector<16xi32> to vector<1x16xi32>
      tpu.vector_store %arg8[%swap3A_675, %swap3A_676], %swap3A_679 {strides = array<i32>} : memref<2x128xi32, #tpu.memory_space<vmem>>, vector<1x16xi32>,
      %get3A_680 = arith.index_cast %add3A_501 : i32 to index
      %get3A_681 = arith.constant 80 : index
      %get3A_682 = tpu.vector_load %arg6[%get3A_680, %get3A_681] {strides = array<i32>} : memref<105x128xi32, #tpu.memory_space<vmem>>, vector<1x16xi32>,
      %get3A_683 = vector.shape_cast %get3A_682 : vector<1x16xi32> to vector<16xi32>
      %shift_right_logical3A_684 = arith.constant 14 : i32
      %shift_right_logical3A_685 = vector.broadcast %shift_right_logical3A_684 : i32 to vector<16xi32>
      %shift_right_logical3A_686 = arith.shrui %get3A_683, %shift_right_logical3A_685 : vector<16xi32>
      %swap3A_687 = arith.constant 1 : i32
      %swap3A_688 = arith.index_cast %swap3A_687 : i32 to index
      %swap3A_689 = arith.constant 80 : index
      %swap3A_690 = tpu.vector_load %arg8[%swap3A_688, %swap3A_689] {strides = array<i32>} : memref<2x128xi32, #tpu.memory_space<vmem>>, vector<1x16xi32>,
      %swap3A_691 = vector.shape_cast %swap3A_690 : vector<1x16xi32> to vector<16xi32>
      %swap3A_692 = vector.shape_cast %shift_right_logical3A_686 : vector<16xi32> to vector<1x16xi32>
      tpu.vector_store %arg8[%swap3A_688, %swap3A_689], %swap3A_692 {strides = array<i32>} : memref<2x128xi32, #tpu.memory_space<vmem>>, vector<1x16xi32>,
      %get3A_693 = arith.index_cast %add3A_501 : i32 to index
      %get3A_694 = arith.constant 96 : index
      %get3A_695 = tpu.vector_load %arg6[%get3A_693, %get3A_694] {strides = array<i32>} : memref<105x128xi32, #tpu.memory_space<vmem>>, vector<1x16xi32>,
      %get3A_696 = vector.shape_cast %get3A_695 : vector<1x16xi32> to vector<16xi32>
      %shift_right_logical3A_697 = arith.constant 14 : i32
      %shift_right_logical3A_698 = vector.broadcast %shift_right_logical3A_697 : i32 to vector<16xi32>
      %shift_right_logical3A_699 = arith.shrui %get3A_696, %shift_right_logical3A_698 : vector<16xi32>
      %swap3A_700 = arith.constant 1 : i32
      %swap3A_701 = arith.index_cast %swap3A_700 : i32 to index
      %swap3A_702 = arith.constant 96 : index
      %swap3A_703 = tpu.vector_load %arg8[%swap3A_701, %swap3A_702] {strides = array<i32>} : memref<2x128xi32, #tpu.memory_space<vmem>>, vector<1x16xi32>,
      %swap3A_704 = vector.shape_cast %swap3A_703 : vector<1x16xi32> to vector<16xi32>
      %swap3A_705 = vector.shape_cast %shift_right_logical3A_699 : vector<16xi32> to vector<1x16xi32>
      tpu.vector_store %arg8[%swap3A_701, %swap3A_702], %swap3A_705 {strides = array<i32>} : memref<2x128xi32, #tpu.memory_space<vmem>>, vector<1x16xi32>,
      %get3A_706 = arith.index_cast %add3A_501 : i32 to index
      %get3A_707 = arith.constant 112 : index
      %get3A_708 = tpu.vector_load %arg6[%get3A_706, %get3A_707] {strides = array<i32>} : memref<105x128xi32, #tpu.memory_space<vmem>>, vector<1x16xi32>,
      %get3A_709 = vector.shape_cast %get3A_708 : vector<1x16xi32> to vector<16xi32>
      %shift_right_logical3A_710 = arith.constant 14 : i32
      %shift_right_logical3A_711 = vector.broadcast %shift_right_logical3A_710 : i32 to vector<16xi32>
      %shift_right_logical3A_712 = arith.shrui %get3A_709, %shift_right_logical3A_711 : vector<16xi32>
      %swap3A_713 = arith.constant 1 : i32
      %swap3A_714 = arith.index_cast %swap3A_713 : i32 to index
      %swap3A_715 = arith.constant 112 : index
      %swap3A_716 = tpu.vector_load %arg8[%swap3A_714, %swap3A_715] {strides = array<i32>} : memref<2x128xi32, #tpu.memory_space<vmem>>, vector<1x16xi32>,
      %swap3A_717 = vector.shape_cast %swap3A_716 : vector<1x16xi32> to vector<16xi32>
      %swap3A_718 = vector.shape_cast %shift_right_logical3A_712 : vector<16xi32> to vector<1x16xi32>
      tpu.vector_store %arg8[%swap3A_714, %swap3A_715], %swap3A_718 {strides = array<i32>} : memref<2x128xi32, #tpu.memory_space<vmem>>, vector<1x16xi32>,
      %dma_wait3A_719 = arith.constant 1 : i32
      %dma_wait3A_720 = arith.constant 0 : i32
      %dma_wait3A_721 = tpu.memref_slice %arg7[%dma_wait3A_719, %dma_wait3A_720] : memref<2x128xi32, #tpu.memory_space<vmem>> -> memref<1x128xi32, #tpu.memory_space<vmem>>
      %dma_wait3A_722 = tpu.memref_squeeze %dma_wait3A_721 : memref<1x128xi32, #tpu.memory_space<vmem>> -> memref<128xi32, #tpu.memory_space<vmem>>
      %dma_wait3A_723 = arith.constant 0 : i32
      %dma_wait3A_724 = arith.constant 0 : i32
      %dma_wait3A_725 = tpu.memref_slice %arg2[%dma_wait3A_723, %dma_wait3A_724] : memref<10000x128xf32, #tpu.memory_space<hbm>> -> memref<10000x128xf32, #tpu.memory_space<hbm>>
      tpu.wait_indirect_dma semaphore(%arg13 : memref<!tpu.dma_semaphore, #tpu.memory_space<semaphore_mem>>) src(%dma_wait3A_725 : memref<10000x128xf32, #tpu.memory_space<hbm>>) dst(%arg10 : memref<128x128xf32, #tpu.memory_space<vmem>>)
      %run_scoped3A_726 = arith.constant 1 : i32
      "tpu.region"() ({
        %run_scoped3A_727 = tpu.sem_alloc : memref<!tpu.dma_semaphore, #tpu.memory_space<semaphore_mem>>
        %dma_start3A_728 = arith.constant 0 : i32
        %dma_start3A_729 = tpu.memref_slice %arg8[%run_scoped3A_726, %dma_start3A_728] : memref<2x128xi32, #tpu.memory_space<vmem>> -> memref<1x128xi32, #tpu.memory_space<vmem>>
        %dma_start3A_730 = tpu.memref_squeeze %dma_start3A_729 : memref<1x128xi32, #tpu.memory_space<vmem>> -> memref<128xi32, #tpu.memory_space<vmem>>
        %dma_start3A_731 = arith.constant 0 : i32
        %dma_start3A_732 = arith.constant 0 : i32
        %dma_start3A_733 = tpu.memref_slice %arg11[%dma_start3A_731, %dma_start3A_732] : memref<10240x128xf32, #tpu.memory_space<vmem_shared>> -> memref<10240x128xf32, #tpu.memory_space<vmem_shared>>
        tpu.enqueue_indirect_dma source(%arg10 : memref<128x128xf32, #tpu.memory_space<vmem>>) target(%dma_start3A_733 : memref<10240x128xf32, #tpu.memory_space<vmem_shared>>) offsets(%dma_start3A_730 : memref<128xi32, #tpu.memory_space<vmem>>) semaphore(%run_scoped3A_727 : memref<!tpu.dma_semaphore, #tpu.memory_space<semaphore_mem>>) {add = true}
        %dma_wait3A_734 = arith.constant 0 : i32
        %dma_wait3A_735 = tpu.memref_slice %arg8[%run_scoped3A_726, %dma_wait3A_734] : memref<2x128xi32, #tpu.memory_space<vmem>> -> memref<1x128xi32, #tpu.memory_space<vmem>>
        %dma_wait3A_736 = tpu.memref_squeeze %dma_wait3A_735 : memref<1x128xi32, #tpu.memory_space<vmem>> -> memref<128xi32, #tpu.memory_space<vmem>>
        %dma_wait3A_737 = arith.constant 0 : i32
        %dma_wait3A_738 = arith.constant 0 : i32
        %dma_wait3A_739 = tpu.memref_slice %arg11[%dma_wait3A_737, %dma_wait3A_738] : memref<10240x128xf32, #tpu.memory_space<vmem_shared>> -> memref<10240x128xf32, #tpu.memory_space<vmem_shared>>
        tpu.wait_indirect_dma semaphore(%run_scoped3A_727 : memref<!tpu.dma_semaphore, #tpu.memory_space<semaphore_mem>>) src(%arg10 : memref<128x128xf32, #tpu.memory_space<vmem>>) dst(%dma_wait3A_739 : memref<10240x128xf32, #tpu.memory_space<vmem_shared>>)
        tpu.yield
      }) : () -> ()
    }
    %while3A_155 = arith.constant 1 : i32
    scf.for %while3A_270 = %while3A_153 to %while3A_149 step %while3A_155  : i32 {
      %mul3A_271 = arith.muli %while3A_270, %while3A : i32
      %add3A_272 = arith.addi %while3A_146, %mul3A_271 : i32
      %mul3A_273 = arith.constant 2 : i32
      %mul3A_274 = arith.muli %add3A_272, %mul3A_273 : i32
      %add3A_275 = arith.constant 1 : i32
      %add3A_276 = arith.addi %mul3A_274, %add3A_275 : i32
      %get3A_277 = arith.index_cast %add3A_276 : i32 to index
      %get3A_278 = arith.constant 0 : index
      %get3A_279 = tpu.vector_load %arg6[%get3A_277, %get3A_278] {strides = array<i32>} : memref<105x128xi32, #tpu.memory_space<vmem>>, vector<1x16xi32>,
      %get3A_280 = vector.shape_cast %get3A_279 : vector<1x16xi32> to vector<16xi32>
      %and3A_281 = arith.constant 16383 : i32
      %and3A_282 = vector.broadcast %and3A_281 : i32 to vector<16xi32>
      %and3A_283 = arith.andi %get3A_280, %and3A_282 : vector<16xi32>
      %swap3A_284 = arith.constant 1 : i32
      %swap3A_285 = arith.index_cast %swap3A_284 : i32 to index
      %swap3A_286 = arith.constant 0 : index
      %swap3A_287 = tpu.vector_load %arg7[%swap3A_285, %swap3A_286] {strides = array<i32>} : memref<2x128xi32, #tpu.memory_space<vmem>>, vector<1x16xi32>,
      %swap3A_288 = vector.shape_cast %swap3A_287 : vector<1x16xi32> to vector<16xi32>
      %swap3A_289 = vector.shape_cast %and3A_283 : vector<16xi32> to vector<1x16xi32>
      tpu.vector_store %arg7[%swap3A_285, %swap3A_286], %swap3A_289 {strides = array<i32>} : memref<2x128xi32, #tpu.memory_space<vmem>>, vector<1x16xi32>,
      %get3A_290 = arith.index_cast %add3A_276 : i32 to index
      %get3A_291 = arith.constant 16 : index
      %get3A_292 = tpu.vector_load %arg6[%get3A_290, %get3A_291] {strides = array<i32>} : memref<105x128xi32, #tpu.memory_space<vmem>>, vector<1x16xi32>,
      %get3A_293 = vector.shape_cast %get3A_292 : vector<1x16xi32> to vector<16xi32>
      %and3A_294 = arith.constant 16383 : i32
      %and3A_295 = vector.broadcast %and3A_294 : i32 to vector<16xi32>
      %and3A_296 = arith.andi %get3A_293, %and3A_295 : vector<16xi32>
      %swap3A_297 = arith.constant 1 : i32
      %swap3A_298 = arith.index_cast %swap3A_297 : i32 to index
      %swap3A_299 = arith.constant 16 : index
      %swap3A_300 = tpu.vector_load %arg7[%swap3A_298, %swap3A_299] {strides = array<i32>} : memref<2x128xi32, #tpu.memory_space<vmem>>, vector<1x16xi32>,
      %swap3A_301 = vector.shape_cast %swap3A_300 : vector<1x16xi32> to vector<16xi32>
      %swap3A_302 = vector.shape_cast %and3A_296 : vector<16xi32> to vector<1x16xi32>
      tpu.vector_store %arg7[%swap3A_298, %swap3A_299], %swap3A_302 {strides = array<i32>} : memref<2x128xi32, #tpu.memory_space<vmem>>, vector<1x16xi32>,
      %get3A_303 = arith.index_cast %add3A_276 : i32 to index
      %get3A_304 = arith.constant 32 : index
      %get3A_305 = tpu.vector_load %arg6[%get3A_303, %get3A_304] {strides = array<i32>} : memref<105x128xi32, #tpu.memory_space<vmem>>, vector<1x16xi32>,
      %get3A_306 = vector.shape_cast %get3A_305 : vector<1x16xi32> to vector<16xi32>
      %and3A_307 = arith.constant 16383 : i32
      %and3A_308 = vector.broadcast %and3A_307 : i32 to vector<16xi32>
      %and3A_309 = arith.andi %get3A_306, %and3A_308 : vector<16xi32>
      %swap3A_310 = arith.constant 1 : i32
      %swap3A_311 = arith.index_cast %swap3A_310 : i32 to index
      %swap3A_312 = arith.constant 32 : index
      %swap3A_313 = tpu.vector_load %arg7[%swap3A_311, %swap3A_312] {strides = array<i32>} : memref<2x128xi32, #tpu.memory_space<vmem>>, vector<1x16xi32>,
      %swap3A_314 = vector.shape_cast %swap3A_313 : vector<1x16xi32> to vector<16xi32>
      %swap3A_315 = vector.shape_cast %and3A_309 : vector<16xi32> to vector<1x16xi32>
      tpu.vector_store %arg7[%swap3A_311, %swap3A_312], %swap3A_315 {strides = array<i32>} : memref<2x128xi32, #tpu.memory_space<vmem>>, vector<1x16xi32>,
      %get3A_316 = arith.index_cast %add3A_276 : i32 to index
      %get3A_317 = arith.constant 48 : index
      %get3A_318 = tpu.vector_load %arg6[%get3A_316, %get3A_317] {strides = array<i32>} : memref<105x128xi32, #tpu.memory_space<vmem>>, vector<1x16xi32>,
      %get3A_319 = vector.shape_cast %get3A_318 : vector<1x16xi32> to vector<16xi32>
      %and3A_320 = arith.constant 16383 : i32
      %and3A_321 = vector.broadcast %and3A_320 : i32 to vector<16xi32>
      %and3A_322 = arith.andi %get3A_319, %and3A_321 : vector<16xi32>
      %swap3A_323 = arith.constant 1 : i32
      %swap3A_324 = arith.index_cast %swap3A_323 : i32 to index
      %swap3A_325 = arith.constant 48 : index
      %swap3A_326 = tpu.vector_load %arg7[%swap3A_324, %swap3A_325] {strides = array<i32>} : memref<2x128xi32, #tpu.memory_space<vmem>>, vector<1x16xi32>,
      %swap3A_327 = vector.shape_cast %swap3A_326 : vector<1x16xi32> to vector<16xi32>
      %swap3A_328 = vector.shape_cast %and3A_322 : vector<16xi32> to vector<1x16xi32>
      tpu.vector_store %arg7[%swap3A_324, %swap3A_325], %swap3A_328 {strides = array<i32>} : memref<2x128xi32, #tpu.memory_space<vmem>>, vector<1x16xi32>,
      %get3A_329 = arith.index_cast %add3A_276 : i32 to index
      %get3A_330 = arith.constant 64 : index
      %get3A_331 = tpu.vector_load %arg6[%get3A_329, %get3A_330] {strides = array<i32>} : memref<105x128xi32, #tpu.memory_space<vmem>>, vector<1x16xi32>,
      %get3A_332 = vector.shape_cast %get3A_331 : vector<1x16xi32> to vector<16xi32>
      %and3A_333 = arith.constant 16383 : i32
      %and3A_334 = vector.broadcast %and3A_333 : i32 to vector<16xi32>
      %and3A_335 = arith.andi %get3A_332, %and3A_334 : vector<16xi32>
      %swap3A_336 = arith.constant 1 : i32
      %swap3A_337 = arith.index_cast %swap3A_336 : i32 to index
      %swap3A_338 = arith.constant 64 : index
      %swap3A_339 = tpu.vector_load %arg7[%swap3A_337, %swap3A_338] {strides = array<i32>} : memref<2x128xi32, #tpu.memory_space<vmem>>, vector<1x16xi32>,
      %swap3A_340 = vector.shape_cast %swap3A_339 : vector<1x16xi32> to vector<16xi32>
      %swap3A_341 = vector.shape_cast %and3A_335 : vector<16xi32> to vector<1x16xi32>
      tpu.vector_store %arg7[%swap3A_337, %swap3A_338], %swap3A_341 {strides = array<i32>} : memref<2x128xi32, #tpu.memory_space<vmem>>, vector<1x16xi32>,
      %get3A_342 = arith.index_cast %add3A_276 : i32 to index
      %get3A_343 = arith.constant 80 : index
      %get3A_344 = tpu.vector_load %arg6[%get3A_342, %get3A_343] {strides = array<i32>} : memref<105x128xi32, #tpu.memory_space<vmem>>, vector<1x16xi32>,
      %get3A_345 = vector.shape_cast %get3A_344 : vector<1x16xi32> to vector<16xi32>
      %and3A_346 = arith.constant 16383 : i32
      %and3A_347 = vector.broadcast %and3A_346 : i32 to vector<16xi32>
      %and3A_348 = arith.andi %get3A_345, %and3A_347 : vector<16xi32>
      %swap3A_349 = arith.constant 1 : i32
      %swap3A_350 = arith.index_cast %swap3A_349 : i32 to index
      %swap3A_351 = arith.constant 80 : index
      %swap3A_352 = tpu.vector_load %arg7[%swap3A_350, %swap3A_351] {strides = array<i32>} : memref<2x128xi32, #tpu.memory_space<vmem>>, vector<1x16xi32>,
      %swap3A_353 = vector.shape_cast %swap3A_352 : vector<1x16xi32> to vector<16xi32>
      %swap3A_354 = vector.shape_cast %and3A_348 : vector<16xi32> to vector<1x16xi32>
      tpu.vector_store %arg7[%swap3A_350, %swap3A_351], %swap3A_354 {strides = array<i32>} : memref<2x128xi32, #tpu.memory_space<vmem>>, vector<1x16xi32>,
      %get3A_355 = arith.index_cast %add3A_276 : i32 to index
      %get3A_356 = arith.constant 96 : index
      %get3A_357 = tpu.vector_load %arg6[%get3A_355, %get3A_356] {strides = array<i32>} : memref<105x128xi32, #tpu.memory_space<vmem>>, vector<1x16xi32>,
      %get3A_358 = vector.shape_cast %get3A_357 : vector<1x16xi32> to vector<16xi32>
      %and3A_359 = arith.constant 16383 : i32
      %and3A_360 = vector.broadcast %and3A_359 : i32 to vector<16xi32>
      %and3A_361 = arith.andi %get3A_358, %and3A_360 : vector<16xi32>
      %swap3A_362 = arith.constant 1 : i32
      %swap3A_363 = arith.index_cast %swap3A_362 : i32 to index
      %swap3A_364 = arith.constant 96 : index
      %swap3A_365 = tpu.vector_load %arg7[%swap3A_363, %swap3A_364] {strides = array<i32>} : memref<2x128xi32, #tpu.memory_space<vmem>>, vector<1x16xi32>,
      %swap3A_366 = vector.shape_cast %swap3A_365 : vector<1x16xi32> to vector<16xi32>
      %swap3A_367 = vector.shape_cast %and3A_361 : vector<16xi32> to vector<1x16xi32>
      tpu.vector_store %arg7[%swap3A_363, %swap3A_364], %swap3A_367 {strides = array<i32>} : memref<2x128xi32, #tpu.memory_space<vmem>>, vector<1x16xi32>,
      %get3A_368 = arith.index_cast %add3A_276 : i32 to index
      %get3A_369 = arith.constant 112 : index
      %get3A_370 = tpu.vector_load %arg6[%get3A_368, %get3A_369] {strides = array<i32>} : memref<105x128xi32, #tpu.memory_space<vmem>>, vector<1x16xi32>,
      %get3A_371 = vector.shape_cast %get3A_370 : vector<1x16xi32> to vector<16xi32>
      %and3A_372 = arith.constant 16383 : i32
      %and3A_373 = vector.broadcast %and3A_372 : i32 to vector<16xi32>
      %and3A_374 = arith.andi %get3A_371, %and3A_373 : vector<16xi32>
      %swap3A_375 = arith.constant 1 : i32
      %swap3A_376 = arith.index_cast %swap3A_375 : i32 to index
      %swap3A_377 = arith.constant 112 : index
      %swap3A_378 = tpu.vector_load %arg7[%swap3A_376, %swap3A_377] {strides = array<i32>} : memref<2x128xi32, #tpu.memory_space<vmem>>, vector<1x16xi32>,
      %swap3A_379 = vector.shape_cast %swap3A_378 : vector<1x16xi32> to vector<16xi32>
      %swap3A_380 = vector.shape_cast %and3A_374 : vector<16xi32> to vector<1x16xi32>
      tpu.vector_store %arg7[%swap3A_376, %swap3A_377], %swap3A_380 {strides = array<i32>} : memref<2x128xi32, #tpu.memory_space<vmem>>, vector<1x16xi32>,
      %dma_start3A_381 = arith.constant 1 : i32
      %dma_start3A_382 = arith.constant 0 : i32
      %dma_start3A_383 = tpu.memref_slice %arg7[%dma_start3A_381, %dma_start3A_382] : memref<2x128xi32, #tpu.memory_space<vmem>> -> memref<1x128xi32, #tpu.memory_space<vmem>>
      %dma_start3A_384 = tpu.memref_squeeze %dma_start3A_383 : memref<1x128xi32, #tpu.memory_space<vmem>> -> memref<128xi32, #tpu.memory_space<vmem>>
      %dma_start3A_385 = arith.constant 0 : i32
      %dma_start3A_386 = arith.constant 0 : i32
      %dma_start3A_387 = tpu.memref_slice %arg2[%dma_start3A_385, %dma_start3A_386] : memref<10000x128xf32, #tpu.memory_space<hbm>> -> memref<10000x128xf32, #tpu.memory_space<hbm>>
      tpu.enqueue_indirect_dma source(%dma_start3A_387 : memref<10000x128xf32, #tpu.memory_space<hbm>>) target(%arg10 : memref<128x128xf32, #tpu.memory_space<vmem>>) offsets(%dma_start3A_384 : memref<128xi32, #tpu.memory_space<vmem>>) semaphore(%arg13 : memref<!tpu.dma_semaphore, #tpu.memory_space<semaphore_mem>>)
      %get3A_388 = arith.index_cast %mul3A_274 : i32 to index
      %get3A_389 = arith.constant 0 : index
      %get3A_390 = tpu.vector_load %arg6[%get3A_388, %get3A_389] {strides = array<i32>} : memref<105x128xi32, #tpu.memory_space<vmem>>, vector<1x16xi32>,
      %get3A_391 = vector.shape_cast %get3A_390 : vector<1x16xi32> to vector<16xi32>
      %shift_right_logical3A_392 = arith.constant 14 : i32
      %shift_right_logical3A_393 = vector.broadcast %shift_right_logical3A_392 : i32 to vector<16xi32>
      %shift_right_logical3A_394 = arith.shrui %get3A_391, %shift_right_logical3A_393 : vector<16xi32>
      %swap3A_395 = arith.constant 0 : i32
      %swap3A_396 = arith.index_cast %swap3A_395 : i32 to index
      %swap3A_397 = arith.constant 0 : index
      %swap3A_398 = tpu.vector_load %arg8[%swap3A_396, %swap3A_397] {strides = array<i32>} : memref<2x128xi32, #tpu.memory_space<vmem>>, vector<1x16xi32>,
      %swap3A_399 = vector.shape_cast %swap3A_398 : vector<1x16xi32> to vector<16xi32>
      %swap3A_400 = vector.shape_cast %shift_right_logical3A_394 : vector<16xi32> to vector<1x16xi32>
      tpu.vector_store %arg8[%swap3A_396, %swap3A_397], %swap3A_400 {strides = array<i32>} : memref<2x128xi32, #tpu.memory_space<vmem>>, vector<1x16xi32>,
      %get3A_401 = arith.index_cast %mul3A_274 : i32 to index
      %get3A_402 = arith.constant 16 : index
      %get3A_403 = tpu.vector_load %arg6[%get3A_401, %get3A_402] {strides = array<i32>} : memref<105x128xi32, #tpu.memory_space<vmem>>, vector<1x16xi32>,
      %get3A_404 = vector.shape_cast %get3A_403 : vector<1x16xi32> to vector<16xi32>
      %shift_right_logical3A_405 = arith.constant 14 : i32
      %shift_right_logical3A_406 = vector.broadcast %shift_right_logical3A_405 : i32 to vector<16xi32>
      %shift_right_logical3A_407 = arith.shrui %get3A_404, %shift_right_logical3A_406 : vector<16xi32>
      %swap3A_408 = arith.constant 0 : i32
      %swap3A_409 = arith.index_cast %swap3A_408 : i32 to index
      %swap3A_410 = arith.constant 16 : index
      %swap3A_411 = tpu.vector_load %arg8[%swap3A_409, %swap3A_410] {strides = array<i32>} : memref<2x128xi32, #tpu.memory_space<vmem>>, vector<1x16xi32>,
      %swap3A_412 = vector.shape_cast %swap3A_411 : vector<1x16xi32> to vector<16xi32>
      %swap3A_413 = vector.shape_cast %shift_right_logical3A_407 : vector<16xi32> to vector<1x16xi32>
      tpu.vector_store %arg8[%swap3A_409, %swap3A_410], %swap3A_413 {strides = array<i32>} : memref<2x128xi32, #tpu.memory_space<vmem>>, vector<1x16xi32>,
      %get3A_414 = arith.index_cast %mul3A_274 : i32 to index
      %get3A_415 = arith.constant 32 : index
      %get3A_416 = tpu.vector_load %arg6[%get3A_414, %get3A_415] {strides = array<i32>} : memref<105x128xi32, #tpu.memory_space<vmem>>, vector<1x16xi32>,
      %get3A_417 = vector.shape_cast %get3A_416 : vector<1x16xi32> to vector<16xi32>
      %shift_right_logical3A_418 = arith.constant 14 : i32
      %shift_right_logical3A_419 = vector.broadcast %shift_right_logical3A_418 : i32 to vector<16xi32>
      %shift_right_logical3A_420 = arith.shrui %get3A_417, %shift_right_logical3A_419 : vector<16xi32>
      %swap3A_421 = arith.constant 0 : i32
      %swap3A_422 = arith.index_cast %swap3A_421 : i32 to index
      %swap3A_423 = arith.constant 32 : index
      %swap3A_424 = tpu.vector_load %arg8[%swap3A_422, %swap3A_423] {strides = array<i32>} : memref<2x128xi32, #tpu.memory_space<vmem>>, vector<1x16xi32>,
      %swap3A_425 = vector.shape_cast %swap3A_424 : vector<1x16xi32> to vector<16xi32>
      %swap3A_426 = vector.shape_cast %shift_right_logical3A_420 : vector<16xi32> to vector<1x16xi32>
      tpu.vector_store %arg8[%swap3A_422, %swap3A_423], %swap3A_426 {strides = array<i32>} : memref<2x128xi32, #tpu.memory_space<vmem>>, vector<1x16xi32>,
      %get3A_427 = arith.index_cast %mul3A_274 : i32 to index
      %get3A_428 = arith.constant 48 : index
      %get3A_429 = tpu.vector_load %arg6[%get3A_427, %get3A_428] {strides = array<i32>} : memref<105x128xi32, #tpu.memory_space<vmem>>, vector<1x16xi32>,
      %get3A_430 = vector.shape_cast %get3A_429 : vector<1x16xi32> to vector<16xi32>
      %shift_right_logical3A_431 = arith.constant 14 : i32
      %shift_right_logical3A_432 = vector.broadcast %shift_right_logical3A_431 : i32 to vector<16xi32>
      %shift_right_logical3A_433 = arith.shrui %get3A_430, %shift_right_logical3A_432 : vector<16xi32>
      %swap3A_434 = arith.constant 0 : i32
      %swap3A_435 = arith.index_cast %swap3A_434 : i32 to index
      %swap3A_436 = arith.constant 48 : index
      %swap3A_437 = tpu.vector_load %arg8[%swap3A_435, %swap3A_436] {strides = array<i32>} : memref<2x128xi32, #tpu.memory_space<vmem>>, vector<1x16xi32>,
      %swap3A_438 = vector.shape_cast %swap3A_437 : vector<1x16xi32> to vector<16xi32>
      %swap3A_439 = vector.shape_cast %shift_right_logical3A_433 : vector<16xi32> to vector<1x16xi32>
      tpu.vector_store %arg8[%swap3A_435, %swap3A_436], %swap3A_439 {strides = array<i32>} : memref<2x128xi32, #tpu.memory_space<vmem>>, vector<1x16xi32>,
      %get3A_440 = arith.index_cast %mul3A_274 : i32 to index
      %get3A_441 = arith.constant 64 : index
      %get3A_442 = tpu.vector_load %arg6[%get3A_440, %get3A_441] {strides = array<i32>} : memref<105x128xi32, #tpu.memory_space<vmem>>, vector<1x16xi32>,
      %get3A_443 = vector.shape_cast %get3A_442 : vector<1x16xi32> to vector<16xi32>
      %shift_right_logical3A_444 = arith.constant 14 : i32
      %shift_right_logical3A_445 = vector.broadcast %shift_right_logical3A_444 : i32 to vector<16xi32>
      %shift_right_logical3A_446 = arith.shrui %get3A_443, %shift_right_logical3A_445 : vector<16xi32>
      %swap3A_447 = arith.constant 0 : i32
      %swap3A_448 = arith.index_cast %swap3A_447 : i32 to index
      %swap3A_449 = arith.constant 64 : index
      %swap3A_450 = tpu.vector_load %arg8[%swap3A_448, %swap3A_449] {strides = array<i32>} : memref<2x128xi32, #tpu.memory_space<vmem>>, vector<1x16xi32>,
      %swap3A_451 = vector.shape_cast %swap3A_450 : vector<1x16xi32> to vector<16xi32>
      %swap3A_452 = vector.shape_cast %shift_right_logical3A_446 : vector<16xi32> to vector<1x16xi32>
      tpu.vector_store %arg8[%swap3A_448, %swap3A_449], %swap3A_452 {strides = array<i32>} : memref<2x128xi32, #tpu.memory_space<vmem>>, vector<1x16xi32>,
      %get3A_453 = arith.index_cast %mul3A_274 : i32 to index
      %get3A_454 = arith.constant 80 : index
      %get3A_455 = tpu.vector_load %arg6[%get3A_453, %get3A_454] {strides = array<i32>} : memref<105x128xi32, #tpu.memory_space<vmem>>, vector<1x16xi32>,
      %get3A_456 = vector.shape_cast %get3A_455 : vector<1x16xi32> to vector<16xi32>
      %shift_right_logical3A_457 = arith.constant 14 : i32
      %shift_right_logical3A_458 = vector.broadcast %shift_right_logical3A_457 : i32 to vector<16xi32>
      %shift_right_logical3A_459 = arith.shrui %get3A_456, %shift_right_logical3A_458 : vector<16xi32>
      %swap3A_460 = arith.constant 0 : i32
      %swap3A_461 = arith.index_cast %swap3A_460 : i32 to index
      %swap3A_462 = arith.constant 80 : index
      %swap3A_463 = tpu.vector_load %arg8[%swap3A_461, %swap3A_462] {strides = array<i32>} : memref<2x128xi32, #tpu.memory_space<vmem>>, vector<1x16xi32>,
      %swap3A_464 = vector.shape_cast %swap3A_463 : vector<1x16xi32> to vector<16xi32>
      %swap3A_465 = vector.shape_cast %shift_right_logical3A_459 : vector<16xi32> to vector<1x16xi32>
      tpu.vector_store %arg8[%swap3A_461, %swap3A_462], %swap3A_465 {strides = array<i32>} : memref<2x128xi32, #tpu.memory_space<vmem>>, vector<1x16xi32>,
      %get3A_466 = arith.index_cast %mul3A_274 : i32 to index
      %get3A_467 = arith.constant 96 : index
      %get3A_468 = tpu.vector_load %arg6[%get3A_466, %get3A_467] {strides = array<i32>} : memref<105x128xi32, #tpu.memory_space<vmem>>, vector<1x16xi32>,
      %get3A_469 = vector.shape_cast %get3A_468 : vector<1x16xi32> to vector<16xi32>
      %shift_right_logical3A_470 = arith.constant 14 : i32
      %shift_right_logical3A_471 = vector.broadcast %shift_right_logical3A_470 : i32 to vector<16xi32>
      %shift_right_logical3A_472 = arith.shrui %get3A_469, %shift_right_logical3A_471 : vector<16xi32>
      %swap3A_473 = arith.constant 0 : i32
      %swap3A_474 = arith.index_cast %swap3A_473 : i32 to index
      %swap3A_475 = arith.constant 96 : index
      %swap3A_476 = tpu.vector_load %arg8[%swap3A_474, %swap3A_475] {strides = array<i32>} : memref<2x128xi32, #tpu.memory_space<vmem>>, vector<1x16xi32>,
      %swap3A_477 = vector.shape_cast %swap3A_476 : vector<1x16xi32> to vector<16xi32>
      %swap3A_478 = vector.shape_cast %shift_right_logical3A_472 : vector<16xi32> to vector<1x16xi32>
      tpu.vector_store %arg8[%swap3A_474, %swap3A_475], %swap3A_478 {strides = array<i32>} : memref<2x128xi32, #tpu.memory_space<vmem>>, vector<1x16xi32>,
      %get3A_479 = arith.index_cast %mul3A_274 : i32 to index
      %get3A_480 = arith.constant 112 : index
      %get3A_481 = tpu.vector_load %arg6[%get3A_479, %get3A_480] {strides = array<i32>} : memref<105x128xi32, #tpu.memory_space<vmem>>, vector<1x16xi32>,
      %get3A_482 = vector.shape_cast %get3A_481 : vector<1x16xi32> to vector<16xi32>
      %shift_right_logical3A_483 = arith.constant 14 : i32
      %shift_right_logical3A_484 = vector.broadcast %shift_right_logical3A_483 : i32 to vector<16xi32>
      %shift_right_logical3A_485 = arith.shrui %get3A_482, %shift_right_logical3A_484 : vector<16xi32>
      %swap3A_486 = arith.constant 0 : i32
      %swap3A_487 = arith.index_cast %swap3A_486 : i32 to index
      %swap3A_488 = arith.constant 112 : index
      %swap3A_489 = tpu.vector_load %arg8[%swap3A_487, %swap3A_488] {strides = array<i32>} : memref<2x128xi32, #tpu.memory_space<vmem>>, vector<1x16xi32>,
      %swap3A_490 = vector.shape_cast %swap3A_489 : vector<1x16xi32> to vector<16xi32>
      %swap3A_491 = vector.shape_cast %shift_right_logical3A_485 : vector<16xi32> to vector<1x16xi32>
      tpu.vector_store %arg8[%swap3A_487, %swap3A_488], %swap3A_491 {strides = array<i32>} : memref<2x128xi32, #tpu.memory_space<vmem>>, vector<1x16xi32>,
      %dma_wait3A_492 = arith.constant 0 : i32
      %dma_wait3A_493 = arith.constant 0 : i32
      %dma_wait3A_494 = tpu.memref_slice %arg7[%dma_wait3A_492, %dma_wait3A_493] : memref<2x128xi32, #tpu.memory_space<vmem>> -> memref<1x128xi32, #tpu.memory_space<vmem>>
      %dma_wait3A_495 = tpu.memref_squeeze %dma_wait3A_494 : memref<1x128xi32, #tpu.memory_space<vmem>> -> memref<128xi32, #tpu.memory_space<vmem>>
      %dma_wait3A_496 = arith.constant 0 : i32
      %dma_wait3A_497 = arith.constant 0 : i32
      %dma_wait3A_498 = tpu.memref_slice %arg2[%dma_wait3A_496, %dma_wait3A_497] : memref<10000x128xf32, #tpu.memory_space<hbm>> -> memref<10000x128xf32, #tpu.memory_space<hbm>>
      tpu.wait_indirect_dma semaphore(%arg12 : memref<!tpu.dma_semaphore, #tpu.memory_space<semaphore_mem>>) src(%dma_wait3A_498 : memref<10000x128xf32, #tpu.memory_space<hbm>>) dst(%arg9 : memref<128x128xf32, #tpu.memory_space<vmem>>)
      %run_scoped3A_499 = arith.constant 0 : i32
      "tpu.region"() ({
        %run_scoped3A_727 = tpu.sem_alloc : memref<!tpu.dma_semaphore, #tpu.memory_space<semaphore_mem>>
        %dma_start3A_728 = arith.constant 0 : i32
        %dma_start3A_729 = tpu.memref_slice %arg8[%run_scoped3A_499, %dma_start3A_728] : memref<2x128xi32, #tpu.memory_space<vmem>> -> memref<1x128xi32, #tpu.memory_space<vmem>>
        %dma_start3A_730 = tpu.memref_squeeze %dma_start3A_729 : memref<1x128xi32, #tpu.memory_space<vmem>> -> memref<128xi32, #tpu.memory_space<vmem>>
        %dma_start3A_731 = arith.constant 0 : i32
        %dma_start3A_732 = arith.constant 0 : i32
        %dma_start3A_733 = tpu.memref_slice %arg11[%dma_start3A_731, %dma_start3A_732] : memref<10240x128xf32, #tpu.memory_space<vmem_shared>> -> memref<10240x128xf32, #tpu.memory_space<vmem_shared>>
        tpu.enqueue_indirect_dma source(%arg9 : memref<128x128xf32, #tpu.memory_space<vmem>>) target(%dma_start3A_733 : memref<10240x128xf32, #tpu.memory_space<vmem_shared>>) offsets(%dma_start3A_730 : memref<128xi32, #tpu.memory_space<vmem>>) semaphore(%run_scoped3A_727 : memref<!tpu.dma_semaphore, #tpu.memory_space<semaphore_mem>>) {add = true}
        %dma_wait3A_734 = arith.constant 0 : i32
        %dma_wait3A_735 = tpu.memref_slice %arg8[%run_scoped3A_499, %dma_wait3A_734] : memref<2x128xi32, #tpu.memory_space<vmem>> -> memref<1x128xi32, #tpu.memory_space<vmem>>
        %dma_wait3A_736 = tpu.memref_squeeze %dma_wait3A_735 : memref<1x128xi32, #tpu.memory_space<vmem>> -> memref<128xi32, #tpu.memory_space<vmem>>
        %dma_wait3A_737 = arith.constant 0 : i32
        %dma_wait3A_738 = arith.constant 0 : i32
        %dma_wait3A_739 = tpu.memref_slice %arg11[%dma_wait3A_737, %dma_wait3A_738] : memref<10240x128xf32, #tpu.memory_space<vmem_shared>> -> memref<10240x128xf32, #tpu.memory_space<vmem_shared>>
        tpu.wait_indirect_dma semaphore(%run_scoped3A_727 : memref<!tpu.dma_semaphore, #tpu.memory_space<semaphore_mem>>) src(%arg9 : memref<128x128xf32, #tpu.memory_space<vmem>>) dst(%dma_wait3A_739 : memref<10240x128xf32, #tpu.memory_space<vmem_shared>>)
        tpu.yield
      }) : () -> ()
      %add3A_500 = arith.constant 1 : i32
      %add3A_501 = arith.addi %mul3A_274, %add3A_500 : i32
      %add3A_502 = arith.constant 1 : i32
      %add3A_503 = arith.addi %add3A_501, %add3A_502 : i32
      %get3A_504 = arith.index_cast %add3A_503 : i32 to index
      %get3A_505 = arith.constant 0 : index
      %get3A_506 = tpu.vector_load %arg6[%get3A_504, %get3A_505] {strides = array<i32>} : memref<105x128xi32, #tpu.memory_space<vmem>>, vector<1x16xi32>,
      %get3A_507 = vector.shape_cast %get3A_506 : vector<1x16xi32> to vector<16xi32>
      %and3A_508 = arith.constant 16383 : i32
      %and3A_509 = vector.broadcast %and3A_508 : i32 to vector<16xi32>
      %and3A_510 = arith.andi %get3A_507, %and3A_509 : vector<16xi32>
      %swap3A_511 = arith.constant 0 : i32
      %swap3A_512 = arith.index_cast %swap3A_511 : i32 to index
      %swap3A_513 = arith.constant 0 : index
      %swap3A_514 = tpu.vector_load %arg7[%swap3A_512, %swap3A_513] {strides = array<i32>} : memref<2x128xi32, #tpu.memory_space<vmem>>, vector<1x16xi32>,
      %swap3A_515 = vector.shape_cast %swap3A_514 : vector<1x16xi32> to vector<16xi32>
      %swap3A_516 = vector.shape_cast %and3A_510 : vector<16xi32> to vector<1x16xi32>
      tpu.vector_store %arg7[%swap3A_512, %swap3A_513], %swap3A_516 {strides = array<i32>} : memref<2x128xi32, #tpu.memory_space<vmem>>, vector<1x16xi32>,
      %get3A_517 = arith.index_cast %add3A_503 : i32 to index
      %get3A_518 = arith.constant 16 : index
      %get3A_519 = tpu.vector_load %arg6[%get3A_517, %get3A_518] {strides = array<i32>} : memref<105x128xi32, #tpu.memory_space<vmem>>, vector<1x16xi32>,
      %get3A_520 = vector.shape_cast %get3A_519 : vector<1x16xi32> to vector<16xi32>
      %and3A_521 = arith.constant 16383 : i32
      %and3A_522 = vector.broadcast %and3A_521 : i32 to vector<16xi32>
      %and3A_523 = arith.andi %get3A_520, %and3A_522 : vector<16xi32>
      %swap3A_524 = arith.constant 0 : i32
      %swap3A_525 = arith.index_cast %swap3A_524 : i32 to index
      %swap3A_526 = arith.constant 16 : index
      %swap3A_527 = tpu.vector_load %arg7[%swap3A_525, %swap3A_526] {strides = array<i32>} : memref<2x128xi32, #tpu.memory_space<vmem>>, vector<1x16xi32>,
      %swap3A_528 = vector.shape_cast %swap3A_527 : vector<1x16xi32> to vector<16xi32>
      %swap3A_529 = vector.shape_cast %and3A_523 : vector<16xi32> to vector<1x16xi32>
      tpu.vector_store %arg7[%swap3A_525, %swap3A_526], %swap3A_529 {strides = array<i32>} : memref<2x128xi32, #tpu.memory_space<vmem>>, vector<1x16xi32>,
      %get3A_530 = arith.index_cast %add3A_503 : i32 to index
      %get3A_531 = arith.constant 32 : index
      %get3A_532 = tpu.vector_load %arg6[%get3A_530, %get3A_531] {strides = array<i32>} : memref<105x128xi32, #tpu.memory_space<vmem>>, vector<1x16xi32>,
      %get3A_533 = vector.shape_cast %get3A_532 : vector<1x16xi32> to vector<16xi32>
      %and3A_534 = arith.constant 16383 : i32
      %and3A_535 = vector.broadcast %and3A_534 : i32 to vector<16xi32>
      %and3A_536 = arith.andi %get3A_533, %and3A_535 : vector<16xi32>
      %swap3A_537 = arith.constant 0 : i32
      %swap3A_538 = arith.index_cast %swap3A_537 : i32 to index
      %swap3A_539 = arith.constant 32 : index
      %swap3A_540 = tpu.vector_load %arg7[%swap3A_538, %swap3A_539] {strides = array<i32>} : memref<2x128xi32, #tpu.memory_space<vmem>>, vector<1x16xi32>,
      %swap3A_541 = vector.shape_cast %swap3A_540 : vector<1x16xi32> to vector<16xi32>
      %swap3A_542 = vector.shape_cast %and3A_536 : vector<16xi32> to vector<1x16xi32>
      tpu.vector_store %arg7[%swap3A_538, %swap3A_539], %swap3A_542 {strides = array<i32>} : memref<2x128xi32, #tpu.memory_space<vmem>>, vector<1x16xi32>,
      %get3A_543 = arith.index_cast %add3A_503 : i32 to index
      %get3A_544 = arith.constant 48 : index
      %get3A_545 = tpu.vector_load %arg6[%get3A_543, %get3A_544] {strides = array<i32>} : memref<105x128xi32, #tpu.memory_space<vmem>>, vector<1x16xi32>,
      %get3A_546 = vector.shape_cast %get3A_545 : vector<1x16xi32> to vector<16xi32>
      %and3A_547 = arith.constant 16383 : i32
      %and3A_548 = vector.broadcast %and3A_547 : i32 to vector<16xi32>
      %and3A_549 = arith.andi %get3A_546, %and3A_548 : vector<16xi32>
      %swap3A_550 = arith.constant 0 : i32
      %swap3A_551 = arith.index_cast %swap3A_550 : i32 to index
      %swap3A_552 = arith.constant 48 : index
      %swap3A_553 = tpu.vector_load %arg7[%swap3A_551, %swap3A_552] {strides = array<i32>} : memref<2x128xi32, #tpu.memory_space<vmem>>, vector<1x16xi32>,
      %swap3A_554 = vector.shape_cast %swap3A_553 : vector<1x16xi32> to vector<16xi32>
      %swap3A_555 = vector.shape_cast %and3A_549 : vector<16xi32> to vector<1x16xi32>
      tpu.vector_store %arg7[%swap3A_551, %swap3A_552], %swap3A_555 {strides = array<i32>} : memref<2x128xi32, #tpu.memory_space<vmem>>, vector<1x16xi32>,
      %get3A_556 = arith.index_cast %add3A_503 : i32 to index
      %get3A_557 = arith.constant 64 : index
      %get3A_558 = tpu.vector_load %arg6[%get3A_556, %get3A_557] {strides = array<i32>} : memref<105x128xi32, #tpu.memory_space<vmem>>, vector<1x16xi32>,
      %get3A_559 = vector.shape_cast %get3A_558 : vector<1x16xi32> to vector<16xi32>
      %and3A_560 = arith.constant 16383 : i32
      %and3A_561 = vector.broadcast %and3A_560 : i32 to vector<16xi32>
      %and3A_562 = arith.andi %get3A_559, %and3A_561 : vector<16xi32>
      %swap3A_563 = arith.constant 0 : i32
      %swap3A_564 = arith.index_cast %swap3A_563 : i32 to index
      %swap3A_565 = arith.constant 64 : index
      %swap3A_566 = tpu.vector_load %arg7[%swap3A_564, %swap3A_565] {strides = array<i32>} : memref<2x128xi32, #tpu.memory_space<vmem>>, vector<1x16xi32>,
      %swap3A_567 = vector.shape_cast %swap3A_566 : vector<1x16xi32> to vector<16xi32>
      %swap3A_568 = vector.shape_cast %and3A_562 : vector<16xi32> to vector<1x16xi32>
      tpu.vector_store %arg7[%swap3A_564, %swap3A_565], %swap3A_568 {strides = array<i32>} : memref<2x128xi32, #tpu.memory_space<vmem>>, vector<1x16xi32>,
      %get3A_569 = arith.index_cast %add3A_503 : i32 to index
      %get3A_570 = arith.constant 80 : index
      %get3A_571 = tpu.vector_load %arg6[%get3A_569, %get3A_570] {strides = array<i32>} : memref<105x128xi32, #tpu.memory_space<vmem>>, vector<1x16xi32>,
      %get3A_572 = vector.shape_cast %get3A_571 : vector<1x16xi32> to vector<16xi32>
      %and3A_573 = arith.constant 16383 : i32
      %and3A_574 = vector.broadcast %and3A_573 : i32 to vector<16xi32>
      %and3A_575 = arith.andi %get3A_572, %and3A_574 : vector<16xi32>
      %swap3A_576 = arith.constant 0 : i32
      %swap3A_577 = arith.index_cast %swap3A_576 : i32 to index
      %swap3A_578 = arith.constant 80 : index
      %swap3A_579 = tpu.vector_load %arg7[%swap3A_577, %swap3A_578] {strides = array<i32>} : memref<2x128xi32, #tpu.memory_space<vmem>>, vector<1x16xi32>,
      %swap3A_580 = vector.shape_cast %swap3A_579 : vector<1x16xi32> to vector<16xi32>
      %swap3A_581 = vector.shape_cast %and3A_575 : vector<16xi32> to vector<1x16xi32>
      tpu.vector_store %arg7[%swap3A_577, %swap3A_578], %swap3A_581 {strides = array<i32>} : memref<2x128xi32, #tpu.memory_space<vmem>>, vector<1x16xi32>,
      %get3A_582 = arith.index_cast %add3A_503 : i32 to index
      %get3A_583 = arith.constant 96 : index
      %get3A_584 = tpu.vector_load %arg6[%get3A_582, %get3A_583] {strides = array<i32>} : memref<105x128xi32, #tpu.memory_space<vmem>>, vector<1x16xi32>,
      %get3A_585 = vector.shape_cast %get3A_584 : vector<1x16xi32> to vector<16xi32>
      %and3A_586 = arith.constant 16383 : i32
      %and3A_587 = vector.broadcast %and3A_586 : i32 to vector<16xi32>
      %and3A_588 = arith.andi %get3A_585, %and3A_587 : vector<16xi32>
      %swap3A_589 = arith.constant 0 : i32
      %swap3A_590 = arith.index_cast %swap3A_589 : i32 to index
      %swap3A_591 = arith.constant 96 : index
      %swap3A_592 = tpu.vector_load %arg7[%swap3A_590, %swap3A_591] {strides = array<i32>} : memref<2x128xi32, #tpu.memory_space<vmem>>, vector<1x16xi32>,
      %swap3A_593 = vector.shape_cast %swap3A_592 : vector<1x16xi32> to vector<16xi32>
      %swap3A_594 = vector.shape_cast %and3A_588 : vector<16xi32> to vector<1x16xi32>
      tpu.vector_store %arg7[%swap3A_590, %swap3A_591], %swap3A_594 {strides = array<i32>} : memref<2x128xi32, #tpu.memory_space<vmem>>, vector<1x16xi32>,
      %get3A_595 = arith.index_cast %add3A_503 : i32 to index
      %get3A_596 = arith.constant 112 : index
      %get3A_597 = tpu.vector_load %arg6[%get3A_595, %get3A_596] {strides = array<i32>} : memref<105x128xi32, #tpu.memory_space<vmem>>, vector<1x16xi32>,
      %get3A_598 = vector.shape_cast %get3A_597 : vector<1x16xi32> to vector<16xi32>
      %and3A_599 = arith.constant 16383 : i32
      %and3A_600 = vector.broadcast %and3A_599 : i32 to vector<16xi32>
      %and3A_601 = arith.andi %get3A_598, %and3A_600 : vector<16xi32>
      %swap3A_602 = arith.constant 0 : i32
      %swap3A_603 = arith.index_cast %swap3A_602 : i32 to index
      %swap3A_604 = arith.constant 112 : index
      %swap3A_605 = tpu.vector_load %arg7[%swap3A_603, %swap3A_604] {strides = array<i32>} : memref<2x128xi32, #tpu.memory_space<vmem>>, vector<1x16xi32>,
      %swap3A_606 = vector.shape_cast %swap3A_605 : vector<1x16xi32> to vector<16xi32>
      %swap3A_607 = vector.shape_cast %and3A_601 : vector<16xi32> to vector<1x16xi32>
      tpu.vector_store %arg7[%swap3A_603, %swap3A_604], %swap3A_607 {strides = array<i32>} : memref<2x128xi32, #tpu.memory_space<vmem>>, vector<1x16xi32>,
      %dma_start3A_608 = arith.constant 0 : i32
      %dma_start3A_609 = arith.constant 0 : i32
      %dma_start3A_610 = tpu.memref_slice %arg7[%dma_start3A_608, %dma_start3A_609] : memref<2x128xi32, #tpu.memory_space<vmem>> -> memref<1x128xi32, #tpu.memory_space<vmem>>
      %dma_start3A_611 = tpu.memref_squeeze %dma_start3A_610 : memref<1x128xi32, #tpu.memory_space<vmem>> -> memref<128xi32, #tpu.memory_space<vmem>>
      %dma_start3A_612 = arith.constant 0 : i32
      %dma_start3A_613 = arith.constant 0 : i32
      %dma_start3A_614 = tpu.memref_slice %arg2[%dma_start3A_612, %dma_start3A_613] : memref<10000x128xf32, #tpu.memory_space<hbm>> -> memref<10000x128xf32, #tpu.memory_space<hbm>>
      tpu.enqueue_indirect_dma source(%dma_start3A_614 : memref<10000x128xf32, #tpu.memory_space<hbm>>) target(%arg9 : memref<128x128xf32, #tpu.memory_space<vmem>>) offsets(%dma_start3A_611 : memref<128xi32, #tpu.memory_space<vmem>>) semaphore(%arg12 : memref<!tpu.dma_semaphore, #tpu.memory_space<semaphore_mem>>)
      %get3A_615 = arith.index_cast %add3A_501 : i32 to index
      %get3A_616 = arith.constant 0 : index
      %get3A_617 = tpu.vector_load %arg6[%get3A_615, %get3A_616] {strides = array<i32>} : memref<105x128xi32, #tpu.memory_space<vmem>>, vector<1x16xi32>,
      %get3A_618 = vector.shape_cast %get3A_617 : vector<1x16xi32> to vector<16xi32>
      %shift_right_logical3A_619 = arith.constant 14 : i32
      %shift_right_logical3A_620 = vector.broadcast %shift_right_logical3A_619 : i32 to vector<16xi32>
      %shift_right_logical3A_621 = arith.shrui %get3A_618, %shift_right_logical3A_620 : vector<16xi32>
      %swap3A_622 = arith.constant 1 : i32
      %swap3A_623 = arith.index_cast %swap3A_622 : i32 to index
      %swap3A_624 = arith.constant 0 : index
      %swap3A_625 = tpu.vector_load %arg8[%swap3A_623, %swap3A_624] {strides = array<i32>} : memref<2x128xi32, #tpu.memory_space<vmem>>, vector<1x16xi32>,
      %swap3A_626 = vector.shape_cast %swap3A_625 : vector<1x16xi32> to vector<16xi32>
      %swap3A_627 = vector.shape_cast %shift_right_logical3A_621 : vector<16xi32> to vector<1x16xi32>
      tpu.vector_store %arg8[%swap3A_623, %swap3A_624], %swap3A_627 {strides = array<i32>} : memref<2x128xi32, #tpu.memory_space<vmem>>, vector<1x16xi32>,
      %get3A_628 = arith.index_cast %add3A_501 : i32 to index
      %get3A_629 = arith.constant 16 : index
      %get3A_630 = tpu.vector_load %arg6[%get3A_628, %get3A_629] {strides = array<i32>} : memref<105x128xi32, #tpu.memory_space<vmem>>, vector<1x16xi32>,
      %get3A_631 = vector.shape_cast %get3A_630 : vector<1x16xi32> to vector<16xi32>
      %shift_right_logical3A_632 = arith.constant 14 : i32
      %shift_right_logical3A_633 = vector.broadcast %shift_right_logical3A_632 : i32 to vector<16xi32>
      %shift_right_logical3A_634 = arith.shrui %get3A_631, %shift_right_logical3A_633 : vector<16xi32>
      %swap3A_635 = arith.constant 1 : i32
      %swap3A_636 = arith.index_cast %swap3A_635 : i32 to index
      %swap3A_637 = arith.constant 16 : index
      %swap3A_638 = tpu.vector_load %arg8[%swap3A_636, %swap3A_637] {strides = array<i32>} : memref<2x128xi32, #tpu.memory_space<vmem>>, vector<1x16xi32>,
      %swap3A_639 = vector.shape_cast %swap3A_638 : vector<1x16xi32> to vector<16xi32>
      %swap3A_640 = vector.shape_cast %shift_right_logical3A_634 : vector<16xi32> to vector<1x16xi32>
      tpu.vector_store %arg8[%swap3A_636, %swap3A_637], %swap3A_640 {strides = array<i32>} : memref<2x128xi32, #tpu.memory_space<vmem>>, vector<1x16xi32>,
      %get3A_641 = arith.index_cast %add3A_501 : i32 to index
      %get3A_642 = arith.constant 32 : index
      %get3A_643 = tpu.vector_load %arg6[%get3A_641, %get3A_642] {strides = array<i32>} : memref<105x128xi32, #tpu.memory_space<vmem>>, vector<1x16xi32>,
      %get3A_644 = vector.shape_cast %get3A_643 : vector<1x16xi32> to vector<16xi32>
      %shift_right_logical3A_645 = arith.constant 14 : i32
      %shift_right_logical3A_646 = vector.broadcast %shift_right_logical3A_645 : i32 to vector<16xi32>
      %shift_right_logical3A_647 = arith.shrui %get3A_644, %shift_right_logical3A_646 : vector<16xi32>
      %swap3A_648 = arith.constant 1 : i32
      %swap3A_649 = arith.index_cast %swap3A_648 : i32 to index
      %swap3A_650 = arith.constant 32 : index
      %swap3A_651 = tpu.vector_load %arg8[%swap3A_649, %swap3A_650] {strides = array<i32>} : memref<2x128xi32, #tpu.memory_space<vmem>>, vector<1x16xi32>,
      %swap3A_652 = vector.shape_cast %swap3A_651 : vector<1x16xi32> to vector<16xi32>
      %swap3A_653 = vector.shape_cast %shift_right_logical3A_647 : vector<16xi32> to vector<1x16xi32>
      tpu.vector_store %arg8[%swap3A_649, %swap3A_650], %swap3A_653 {strides = array<i32>} : memref<2x128xi32, #tpu.memory_space<vmem>>, vector<1x16xi32>,
      %get3A_654 = arith.index_cast %add3A_501 : i32 to index
      %get3A_655 = arith.constant 48 : index
      %get3A_656 = tpu.vector_load %arg6[%get3A_654, %get3A_655] {strides = array<i32>} : memref<105x128xi32, #tpu.memory_space<vmem>>, vector<1x16xi32>,
      %get3A_657 = vector.shape_cast %get3A_656 : vector<1x16xi32> to vector<16xi32>
      %shift_right_logical3A_658 = arith.constant 14 : i32
      %shift_right_logical3A_659 = vector.broadcast %shift_right_logical3A_658 : i32 to vector<16xi32>
      %shift_right_logical3A_660 = arith.shrui %get3A_657, %shift_right_logical3A_659 : vector<16xi32>
      %swap3A_661 = arith.constant 1 : i32
      %swap3A_662 = arith.index_cast %swap3A_661 : i32 to index
      %swap3A_663 = arith.constant 48 : index
      %swap3A_664 = tpu.vector_load %arg8[%swap3A_662, %swap3A_663] {strides = array<i32>} : memref<2x128xi32, #tpu.memory_space<vmem>>, vector<1x16xi32>,
      %swap3A_665 = vector.shape_cast %swap3A_664 : vector<1x16xi32> to vector<16xi32>
      %swap3A_666 = vector.shape_cast %shift_right_logical3A_660 : vector<16xi32> to vector<1x16xi32>
      tpu.vector_store %arg8[%swap3A_662, %swap3A_663], %swap3A_666 {strides = array<i32>} : memref<2x128xi32, #tpu.memory_space<vmem>>, vector<1x16xi32>,
      %get3A_667 = arith.index_cast %add3A_501 : i32 to index
      %get3A_668 = arith.constant 64 : index
      %get3A_669 = tpu.vector_load %arg6[%get3A_667, %get3A_668] {strides = array<i32>} : memref<105x128xi32, #tpu.memory_space<vmem>>, vector<1x16xi32>,
      %get3A_670 = vector.shape_cast %get3A_669 : vector<1x16xi32> to vector<16xi32>
      %shift_right_logical3A_671 = arith.constant 14 : i32
      %shift_right_logical3A_672 = vector.broadcast %shift_right_logical3A_671 : i32 to vector<16xi32>
      %shift_right_logical3A_673 = arith.shrui %get3A_670, %shift_right_logical3A_672 : vector<16xi32>
      %swap3A_674 = arith.constant 1 : i32
      %swap3A_675 = arith.index_cast %swap3A_674 : i32 to index
      %swap3A_676 = arith.constant 64 : index
      %swap3A_677 = tpu.vector_load %arg8[%swap3A_675, %swap3A_676] {strides = array<i32>} : memref<2x128xi32, #tpu.memory_space<vmem>>, vector<1x16xi32>,
      %swap3A_678 = vector.shape_cast %swap3A_677 : vector<1x16xi32> to vector<16xi32>
      %swap3A_679 = vector.shape_cast %shift_right_logical3A_673 : vector<16xi32> to vector<1x16xi32>
      tpu.vector_store %arg8[%swap3A_675, %swap3A_676], %swap3A_679 {strides = array<i32>} : memref<2x128xi32, #tpu.memory_space<vmem>>, vector<1x16xi32>,
      %get3A_680 = arith.index_cast %add3A_501 : i32 to index
      %get3A_681 = arith.constant 80 : index
      %get3A_682 = tpu.vector_load %arg6[%get3A_680, %get3A_681] {strides = array<i32>} : memref<105x128xi32, #tpu.memory_space<vmem>>, vector<1x16xi32>,
      %get3A_683 = vector.shape_cast %get3A_682 : vector<1x16xi32> to vector<16xi32>
      %shift_right_logical3A_684 = arith.constant 14 : i32
      %shift_right_logical3A_685 = vector.broadcast %shift_right_logical3A_684 : i32 to vector<16xi32>
      %shift_right_logical3A_686 = arith.shrui %get3A_683, %shift_right_logical3A_685 : vector<16xi32>
      %swap3A_687 = arith.constant 1 : i32
      %swap3A_688 = arith.index_cast %swap3A_687 : i32 to index
      %swap3A_689 = arith.constant 80 : index
      %swap3A_690 = tpu.vector_load %arg8[%swap3A_688, %swap3A_689] {strides = array<i32>} : memref<2x128xi32, #tpu.memory_space<vmem>>, vector<1x16xi32>,
      %swap3A_691 = vector.shape_cast %swap3A_690 : vector<1x16xi32> to vector<16xi32>
      %swap3A_692 = vector.shape_cast %shift_right_logical3A_686 : vector<16xi32> to vector<1x16xi32>
      tpu.vector_store %arg8[%swap3A_688, %swap3A_689], %swap3A_692 {strides = array<i32>} : memref<2x128xi32, #tpu.memory_space<vmem>>, vector<1x16xi32>,
      %get3A_693 = arith.index_cast %add3A_501 : i32 to index
      %get3A_694 = arith.constant 96 : index
      %get3A_695 = tpu.vector_load %arg6[%get3A_693, %get3A_694] {strides = array<i32>} : memref<105x128xi32, #tpu.memory_space<vmem>>, vector<1x16xi32>,
      %get3A_696 = vector.shape_cast %get3A_695 : vector<1x16xi32> to vector<16xi32>
      %shift_right_logical3A_697 = arith.constant 14 : i32
      %shift_right_logical3A_698 = vector.broadcast %shift_right_logical3A_697 : i32 to vector<16xi32>
      %shift_right_logical3A_699 = arith.shrui %get3A_696, %shift_right_logical3A_698 : vector<16xi32>
      %swap3A_700 = arith.constant 1 : i32
      %swap3A_701 = arith.index_cast %swap3A_700 : i32 to index
      %swap3A_702 = arith.constant 96 : index
      %swap3A_703 = tpu.vector_load %arg8[%swap3A_701, %swap3A_702] {strides = array<i32>} : memref<2x128xi32, #tpu.memory_space<vmem>>, vector<1x16xi32>,
      %swap3A_704 = vector.shape_cast %swap3A_703 : vector<1x16xi32> to vector<16xi32>
      %swap3A_705 = vector.shape_cast %shift_right_logical3A_699 : vector<16xi32> to vector<1x16xi32>
      tpu.vector_store %arg8[%swap3A_701, %swap3A_702], %swap3A_705 {strides = array<i32>} : memref<2x128xi32, #tpu.memory_space<vmem>>, vector<1x16xi32>,
      %get3A_706 = arith.index_cast %add3A_501 : i32 to index
      %get3A_707 = arith.constant 112 : index
      %get3A_708 = tpu.vector_load %arg6[%get3A_706, %get3A_707] {strides = array<i32>} : memref<105x128xi32, #tpu.memory_space<vmem>>, vector<1x16xi32>,
      %get3A_709 = vector.shape_cast %get3A_708 : vector<1x16xi32> to vector<16xi32>
      %shift_right_logical3A_710 = arith.constant 14 : i32
      %shift_right_logical3A_711 = vector.broadcast %shift_right_logical3A_710 : i32 to vector<16xi32>
      %shift_right_logical3A_712 = arith.shrui %get3A_709, %shift_right_logical3A_711 : vector<16xi32>
      %swap3A_713 = arith.constant 1 : i32
      %swap3A_714 = arith.index_cast %swap3A_713 : i32 to index
      %swap3A_715 = arith.constant 112 : index
      %swap3A_716 = tpu.vector_load %arg8[%swap3A_714, %swap3A_715] {strides = array<i32>} : memref<2x128xi32, #tpu.memory_space<vmem>>, vector<1x16xi32>,
      %swap3A_717 = vector.shape_cast %swap3A_716 : vector<1x16xi32> to vector<16xi32>
      %swap3A_718 = vector.shape_cast %shift_right_logical3A_712 : vector<16xi32> to vector<1x16xi32>
      tpu.vector_store %arg8[%swap3A_714, %swap3A_715], %swap3A_718 {strides = array<i32>} : memref<2x128xi32, #tpu.memory_space<vmem>>, vector<1x16xi32>,
      %dma_wait3A_719 = arith.constant 1 : i32
      %dma_wait3A_720 = arith.constant 0 : i32
      %dma_wait3A_721 = tpu.memref_slice %arg7[%dma_wait3A_719, %dma_wait3A_720] : memref<2x128xi32, #tpu.memory_space<vmem>> -> memref<1x128xi32, #tpu.memory_space<vmem>>
      %dma_wait3A_722 = tpu.memref_squeeze %dma_wait3A_721 : memref<1x128xi32, #tpu.memory_space<vmem>> -> memref<128xi32, #tpu.memory_space<vmem>>
      %dma_wait3A_723 = arith.constant 0 : i32
      %dma_wait3A_724 = arith.constant 0 : i32
      %dma_wait3A_725 = tpu.memref_slice %arg2[%dma_wait3A_723, %dma_wait3A_724] : memref<10000x128xf32, #tpu.memory_space<hbm>> -> memref<10000x128xf32, #tpu.memory_space<hbm>>
      tpu.wait_indirect_dma semaphore(%arg13 : memref<!tpu.dma_semaphore, #tpu.memory_space<semaphore_mem>>) src(%dma_wait3A_725 : memref<10000x128xf32, #tpu.memory_space<hbm>>) dst(%arg10 : memref<128x128xf32, #tpu.memory_space<vmem>>)
      %run_scoped3A_726 = arith.constant 1 : i32
      "tpu.region"() ({
        %run_scoped3A_727 = tpu.sem_alloc : memref<!tpu.dma_semaphore, #tpu.memory_space<semaphore_mem>>
        %dma_start3A_728 = arith.constant 0 : i32
        %dma_start3A_729 = tpu.memref_slice %arg8[%run_scoped3A_726, %dma_start3A_728] : memref<2x128xi32, #tpu.memory_space<vmem>> -> memref<1x128xi32, #tpu.memory_space<vmem>>
        %dma_start3A_730 = tpu.memref_squeeze %dma_start3A_729 : memref<1x128xi32, #tpu.memory_space<vmem>> -> memref<128xi32, #tpu.memory_space<vmem>>
        %dma_start3A_731 = arith.constant 0 : i32
        %dma_start3A_732 = arith.constant 0 : i32
        %dma_start3A_733 = tpu.memref_slice %arg11[%dma_start3A_731, %dma_start3A_732] : memref<10240x128xf32, #tpu.memory_space<vmem_shared>> -> memref<10240x128xf32, #tpu.memory_space<vmem_shared>>
        tpu.enqueue_indirect_dma source(%arg10 : memref<128x128xf32, #tpu.memory_space<vmem>>) target(%dma_start3A_733 : memref<10240x128xf32, #tpu.memory_space<vmem_shared>>) offsets(%dma_start3A_730 : memref<128xi32, #tpu.memory_space<vmem>>) semaphore(%run_scoped3A_727 : memref<!tpu.dma_semaphore, #tpu.memory_space<semaphore_mem>>) {add = true}
        %dma_wait3A_734 = arith.constant 0 : i32
        %dma_wait3A_735 = tpu.memref_slice %arg8[%run_scoped3A_726, %dma_wait3A_734] : memref<2x128xi32, #tpu.memory_space<vmem>> -> memref<1x128xi32, #tpu.memory_space<vmem>>
        %dma_wait3A_736 = tpu.memref_squeeze %dma_wait3A_735 : memref<1x128xi32, #tpu.memory_space<vmem>> -> memref<128xi32, #tpu.memory_space<vmem>>
        %dma_wait3A_737 = arith.constant 0 : i32
        %dma_wait3A_738 = arith.constant 0 : i32
        %dma_wait3A_739 = tpu.memref_slice %arg11[%dma_wait3A_737, %dma_wait3A_738] : memref<10240x128xf32, #tpu.memory_space<vmem_shared>> -> memref<10240x128xf32, #tpu.memory_space<vmem_shared>>
        tpu.wait_indirect_dma semaphore(%run_scoped3A_727 : memref<!tpu.dma_semaphore, #tpu.memory_space<semaphore_mem>>) src(%arg10 : memref<128x128xf32, #tpu.memory_space<vmem>>) dst(%dma_wait3A_739 : memref<10240x128xf32, #tpu.memory_space<vmem_shared>>)
        tpu.yield
      }) : () -> ()
    }
    %sub3A_156 = arith.constant 1 : i32
    %sub3A_157 = arith.subi %select_n3A_2, %sub3A_156 : i32
    %get3A_158 = arith.index_cast %sub3A_157 : i32 to index
    %get3A_159 = arith.constant 0 : index
    %get3A_160 = tpu.vector_load %arg6[%get3A_158, %get3A_159] {strides = array<i32>} : memref<105x128xi32, #tpu.memory_space<vmem>>, vector<1x16xi32>,
    %get3A_161 = vector.shape_cast %get3A_160 : vector<1x16xi32> to vector<16xi32>
    %shift_right_logical3A = arith.constant 14 : i32
    %shift_right_logical3A_162 = vector.broadcast %shift_right_logical3A : i32 to vector<16xi32>
    %shift_right_logical3A_163 = arith.shrui %get3A_161, %shift_right_logical3A_162 : vector<16xi32>
    %swap3A_164 = arith.constant 0 : i32
    %swap3A_165 = arith.index_cast %swap3A_164 : i32 to index
    %swap3A_166 = arith.constant 0 : index
    %swap3A_167 = tpu.vector_load %arg8[%swap3A_165, %swap3A_166] {strides = array<i32>} : memref<2x128xi32, #tpu.memory_space<vmem>>, vector<1x16xi32>,
    %swap3A_168 = vector.shape_cast %swap3A_167 : vector<1x16xi32> to vector<16xi32>
    %swap3A_169 = vector.shape_cast %shift_right_logical3A_163 : vector<16xi32> to vector<1x16xi32>
    tpu.vector_store %arg8[%swap3A_165, %swap3A_166], %swap3A_169 {strides = array<i32>} : memref<2x128xi32, #tpu.memory_space<vmem>>, vector<1x16xi32>,
    %get3A_170 = arith.index_cast %sub3A_157 : i32 to index
    %get3A_171 = arith.constant 16 : index
    %get3A_172 = tpu.vector_load %arg6[%get3A_170, %get3A_171] {strides = array<i32>} : memref<105x128xi32, #tpu.memory_space<vmem>>, vector<1x16xi32>,
    %get3A_173 = vector.shape_cast %get3A_172 : vector<1x16xi32> to vector<16xi32>
    %shift_right_logical3A_174 = arith.constant 14 : i32
    %shift_right_logical3A_175 = vector.broadcast %shift_right_logical3A_174 : i32 to vector<16xi32>
    %shift_right_logical3A_176 = arith.shrui %get3A_173, %shift_right_logical3A_175 : vector<16xi32>
    %swap3A_177 = arith.constant 0 : i32
    %swap3A_178 = arith.index_cast %swap3A_177 : i32 to index
    %swap3A_179 = arith.constant 16 : index
    %swap3A_180 = tpu.vector_load %arg8[%swap3A_178, %swap3A_179] {strides = array<i32>} : memref<2x128xi32, #tpu.memory_space<vmem>>, vector<1x16xi32>,
    %swap3A_181 = vector.shape_cast %swap3A_180 : vector<1x16xi32> to vector<16xi32>
    %swap3A_182 = vector.shape_cast %shift_right_logical3A_176 : vector<16xi32> to vector<1x16xi32>
    tpu.vector_store %arg8[%swap3A_178, %swap3A_179], %swap3A_182 {strides = array<i32>} : memref<2x128xi32, #tpu.memory_space<vmem>>, vector<1x16xi32>,
    %get3A_183 = arith.index_cast %sub3A_157 : i32 to index
    %get3A_184 = arith.constant 32 : index
    %get3A_185 = tpu.vector_load %arg6[%get3A_183, %get3A_184] {strides = array<i32>} : memref<105x128xi32, #tpu.memory_space<vmem>>, vector<1x16xi32>,
    %get3A_186 = vector.shape_cast %get3A_185 : vector<1x16xi32> to vector<16xi32>
    %shift_right_logical3A_187 = arith.constant 14 : i32
    %shift_right_logical3A_188 = vector.broadcast %shift_right_logical3A_187 : i32 to vector<16xi32>
    %shift_right_logical3A_189 = arith.shrui %get3A_186, %shift_right_logical3A_188 : vector<16xi32>
    %swap3A_190 = arith.constant 0 : i32
    %swap3A_191 = arith.index_cast %swap3A_190 : i32 to index
    %swap3A_192 = arith.constant 32 : index
    %swap3A_193 = tpu.vector_load %arg8[%swap3A_191, %swap3A_192] {strides = array<i32>} : memref<2x128xi32, #tpu.memory_space<vmem>>, vector<1x16xi32>,
    %swap3A_194 = vector.shape_cast %swap3A_193 : vector<1x16xi32> to vector<16xi32>
    %swap3A_195 = vector.shape_cast %shift_right_logical3A_189 : vector<16xi32> to vector<1x16xi32>
    tpu.vector_store %arg8[%swap3A_191, %swap3A_192], %swap3A_195 {strides = array<i32>} : memref<2x128xi32, #tpu.memory_space<vmem>>, vector<1x16xi32>,
    %get3A_196 = arith.index_cast %sub3A_157 : i32 to index
    %get3A_197 = arith.constant 48 : index
    %get3A_198 = tpu.vector_load %arg6[%get3A_196, %get3A_197] {strides = array<i32>} : memref<105x128xi32, #tpu.memory_space<vmem>>, vector<1x16xi32>,
    %get3A_199 = vector.shape_cast %get3A_198 : vector<1x16xi32> to vector<16xi32>
    %shift_right_logical3A_200 = arith.constant 14 : i32
    %shift_right_logical3A_201 = vector.broadcast %shift_right_logical3A_200 : i32 to vector<16xi32>
    %shift_right_logical3A_202 = arith.shrui %get3A_199, %shift_right_logical3A_201 : vector<16xi32>
    %swap3A_203 = arith.constant 0 : i32
    %swap3A_204 = arith.index_cast %swap3A_203 : i32 to index
    %swap3A_205 = arith.constant 48 : index
    %swap3A_206 = tpu.vector_load %arg8[%swap3A_204, %swap3A_205] {strides = array<i32>} : memref<2x128xi32, #tpu.memory_space<vmem>>, vector<1x16xi32>,
    %swap3A_207 = vector.shape_cast %swap3A_206 : vector<1x16xi32> to vector<16xi32>
    %swap3A_208 = vector.shape_cast %shift_right_logical3A_202 : vector<16xi32> to vector<1x16xi32>
    tpu.vector_store %arg8[%swap3A_204, %swap3A_205], %swap3A_208 {strides = array<i32>} : memref<2x128xi32, #tpu.memory_space<vmem>>, vector<1x16xi32>,
    %get3A_209 = arith.index_cast %sub3A_157 : i32 to index
    %get3A_210 = arith.constant 64 : index
    %get3A_211 = tpu.vector_load %arg6[%get3A_209, %get3A_210] {strides = array<i32>} : memref<105x128xi32, #tpu.memory_space<vmem>>, vector<1x16xi32>,
    %get3A_212 = vector.shape_cast %get3A_211 : vector<1x16xi32> to vector<16xi32>
    %shift_right_logical3A_213 = arith.constant 14 : i32
    %shift_right_logical3A_214 = vector.broadcast %shift_right_logical3A_213 : i32 to vector<16xi32>
    %shift_right_logical3A_215 = arith.shrui %get3A_212, %shift_right_logical3A_214 : vector<16xi32>
    %swap3A_216 = arith.constant 0 : i32
    %swap3A_217 = arith.index_cast %swap3A_216 : i32 to index
    %swap3A_218 = arith.constant 64 : index
    %swap3A_219 = tpu.vector_load %arg8[%swap3A_217, %swap3A_218] {strides = array<i32>} : memref<2x128xi32, #tpu.memory_space<vmem>>, vector<1x16xi32>,
    %swap3A_220 = vector.shape_cast %swap3A_219 : vector<1x16xi32> to vector<16xi32>
    %swap3A_221 = vector.shape_cast %shift_right_logical3A_215 : vector<16xi32> to vector<1x16xi32>
    tpu.vector_store %arg8[%swap3A_217, %swap3A_218], %swap3A_221 {strides = array<i32>} : memref<2x128xi32, #tpu.memory_space<vmem>>, vector<1x16xi32>,
    %get3A_222 = arith.index_cast %sub3A_157 : i32 to index
    %get3A_223 = arith.constant 80 : index
    %get3A_224 = tpu.vector_load %arg6[%get3A_222, %get3A_223] {strides = array<i32>} : memref<105x128xi32, #tpu.memory_space<vmem>>, vector<1x16xi32>,
    %get3A_225 = vector.shape_cast %get3A_224 : vector<1x16xi32> to vector<16xi32>
    %shift_right_logical3A_226 = arith.constant 14 : i32
    %shift_right_logical3A_227 = vector.broadcast %shift_right_logical3A_226 : i32 to vector<16xi32>
    %shift_right_logical3A_228 = arith.shrui %get3A_225, %shift_right_logical3A_227 : vector<16xi32>
    %swap3A_229 = arith.constant 0 : i32
    %swap3A_230 = arith.index_cast %swap3A_229 : i32 to index
    %swap3A_231 = arith.constant 80 : index
    %swap3A_232 = tpu.vector_load %arg8[%swap3A_230, %swap3A_231] {strides = array<i32>} : memref<2x128xi32, #tpu.memory_space<vmem>>, vector<1x16xi32>,
    %swap3A_233 = vector.shape_cast %swap3A_232 : vector<1x16xi32> to vector<16xi32>
    %swap3A_234 = vector.shape_cast %shift_right_logical3A_228 : vector<16xi32> to vector<1x16xi32>
    tpu.vector_store %arg8[%swap3A_230, %swap3A_231], %swap3A_234 {strides = array<i32>} : memref<2x128xi32, #tpu.memory_space<vmem>>, vector<1x16xi32>,
    %get3A_235 = arith.index_cast %sub3A_157 : i32 to index
    %get3A_236 = arith.constant 96 : index
    %get3A_237 = tpu.vector_load %arg6[%get3A_235, %get3A_236] {strides = array<i32>} : memref<105x128xi32, #tpu.memory_space<vmem>>, vector<1x16xi32>,
    %get3A_238 = vector.shape_cast %get3A_237 : vector<1x16xi32> to vector<16xi32>
    %shift_right_logical3A_239 = arith.constant 14 : i32
    %shift_right_logical3A_240 = vector.broadcast %shift_right_logical3A_239 : i32 to vector<16xi32>
    %shift_right_logical3A_241 = arith.shrui %get3A_238, %shift_right_logical3A_240 : vector<16xi32>
    %swap3A_242 = arith.constant 0 : i32
    %swap3A_243 = arith.index_cast %swap3A_242 : i32 to index
    %swap3A_244 = arith.constant 96 : index
    %swap3A_245 = tpu.vector_load %arg8[%swap3A_243, %swap3A_244] {strides = array<i32>} : memref<2x128xi32, #tpu.memory_space<vmem>>, vector<1x16xi32>,
    %swap3A_246 = vector.shape_cast %swap3A_245 : vector<1x16xi32> to vector<16xi32>
    %swap3A_247 = vector.shape_cast %shift_right_logical3A_241 : vector<16xi32> to vector<1x16xi32>
    tpu.vector_store %arg8[%swap3A_243, %swap3A_244], %swap3A_247 {strides = array<i32>} : memref<2x128xi32, #tpu.memory_space<vmem>>, vector<1x16xi32>,
    %get3A_248 = arith.index_cast %sub3A_157 : i32 to index
    %get3A_249 = arith.constant 112 : index
    %get3A_250 = tpu.vector_load %arg6[%get3A_248, %get3A_249] {strides = array<i32>} : memref<105x128xi32, #tpu.memory_space<vmem>>, vector<1x16xi32>,
    %get3A_251 = vector.shape_cast %get3A_250 : vector<1x16xi32> to vector<16xi32>
    %shift_right_logical3A_252 = arith.constant 14 : i32
    %shift_right_logical3A_253 = vector.broadcast %shift_right_logical3A_252 : i32 to vector<16xi32>
    %shift_right_logical3A_254 = arith.shrui %get3A_251, %shift_right_logical3A_253 : vector<16xi32>
    %swap3A_255 = arith.constant 0 : i32
    %swap3A_256 = arith.index_cast %swap3A_255 : i32 to index
    %swap3A_257 = arith.constant 112 : index
    %swap3A_258 = tpu.vector_load %arg8[%swap3A_256, %swap3A_257] {strides = array<i32>} : memref<2x128xi32, #tpu.memory_space<vmem>>, vector<1x16xi32>,
    %swap3A_259 = vector.shape_cast %swap3A_258 : vector<1x16xi32> to vector<16xi32>
    %swap3A_260 = vector.shape_cast %shift_right_logical3A_254 : vector<16xi32> to vector<1x16xi32>
    tpu.vector_store %arg8[%swap3A_256, %swap3A_257], %swap3A_260 {strides = array<i32>} : memref<2x128xi32, #tpu.memory_space<vmem>>, vector<1x16xi32>,
    %dma_wait3A = arith.constant 0 : i32
    %dma_wait3A_261 = arith.constant 0 : i32
    %dma_wait3A_262 = tpu.memref_slice %arg7[%dma_wait3A, %dma_wait3A_261] : memref<2x128xi32, #tpu.memory_space<vmem>> -> memref<1x128xi32, #tpu.memory_space<vmem>>
    %dma_wait3A_263 = tpu.memref_squeeze %dma_wait3A_262 : memref<1x128xi32, #tpu.memory_space<vmem>> -> memref<128xi32, #tpu.memory_space<vmem>>
    %dma_wait3A_264 = arith.constant 0 : i32
    %dma_wait3A_265 = arith.constant 0 : i32
    %dma_wait3A_266 = tpu.memref_slice %arg2[%dma_wait3A_264, %dma_wait3A_265] : memref<10000x128xf32, #tpu.memory_space<hbm>> -> memref<10000x128xf32, #tpu.memory_space<hbm>>
    tpu.wait_indirect_dma semaphore(%arg12 : memref<!tpu.dma_semaphore, #tpu.memory_space<semaphore_mem>>) src(%dma_wait3A_266 : memref<10000x128xf32, #tpu.memory_space<hbm>>) dst(%arg9 : memref<128x128xf32, #tpu.memory_space<vmem>>)
    %run_scoped3A = arith.constant 0 : i32
    "tpu.region"() ({
      %run_scoped3A_270 = tpu.sem_alloc : memref<!tpu.dma_semaphore, #tpu.memory_space<semaphore_mem>>
      %dma_start3A_271 = arith.constant 0 : i32
      %dma_start3A_272 = tpu.memref_slice %arg8[%run_scoped3A, %dma_start3A_271] : memref<2x128xi32, #tpu.memory_space<vmem>> -> memref<1x128xi32, #tpu.memory_space<vmem>>
      %dma_start3A_273 = tpu.memref_squeeze %dma_start3A_272 : memref<1x128xi32, #tpu.memory_space<vmem>> -> memref<128xi32, #tpu.memory_space<vmem>>
      %dma_start3A_274 = arith.constant 0 : i32
      %dma_start3A_275 = arith.constant 0 : i32
      %dma_start3A_276 = tpu.memref_slice %arg11[%dma_start3A_274, %dma_start3A_275] : memref<10240x128xf32, #tpu.memory_space<vmem_shared>> -> memref<10240x128xf32, #tpu.memory_space<vmem_shared>>
      tpu.enqueue_indirect_dma source(%arg9 : memref<128x128xf32, #tpu.memory_space<vmem>>) target(%dma_start3A_276 : memref<10240x128xf32, #tpu.memory_space<vmem_shared>>) offsets(%dma_start3A_273 : memref<128xi32, #tpu.memory_space<vmem>>) semaphore(%run_scoped3A_270 : memref<!tpu.dma_semaphore, #tpu.memory_space<semaphore_mem>>) {add = true}
      %dma_wait3A_277 = arith.constant 0 : i32
      %dma_wait3A_278 = tpu.memref_slice %arg8[%run_scoped3A, %dma_wait3A_277] : memref<2x128xi32, #tpu.memory_space<vmem>> -> memref<1x128xi32, #tpu.memory_space<vmem>>
      %dma_wait3A_279 = tpu.memref_squeeze %dma_wait3A_278 : memref<1x128xi32, #tpu.memory_space<vmem>> -> memref<128xi32, #tpu.memory_space<vmem>>
      %dma_wait3A_280 = arith.constant 0 : i32
      %dma_wait3A_281 = arith.constant 0 : i32
      %dma_wait3A_282 = tpu.memref_slice %arg11[%dma_wait3A_280, %dma_wait3A_281] : memref<10240x128xf32, #tpu.memory_space<vmem_shared>> -> memref<10240x128xf32, #tpu.memory_space<vmem_shared>>
      tpu.wait_indirect_dma semaphore(%run_scoped3A_270 : memref<!tpu.dma_semaphore, #tpu.memory_space<semaphore_mem>>) src(%arg9 : memref<128x128xf32, #tpu.memory_space<vmem>>) dst(%dma_wait3A_282 : memref<10240x128xf32, #tpu.memory_space<vmem_shared>>)
      tpu.yield
    }) : () -> ()
    %barrier3A_267 = arith.constant 0 : index
    tpu.barrier barrier_id(%barrier3A_267)
    %mul3A_268 = arith.constant 640 : i32
    %mul3A_269 = arith.muli %arg1, %mul3A_268 : i32
    "tpu.region"() ({
      %run_scoped3A_270 = tpu.sem_alloc : memref<!tpu.dma_semaphore, #tpu.memory_space<semaphore_mem>>
      %dma_start3A_271 = arith.constant 0 : i32
      %dma_start3A_272 = tpu.memref_slice %arg5[%arg0, %mul3A_269, %dma_start3A_271] : memref<2x10240x128xf32, #tpu.memory_space<hbm>> -> memref<1x640x128xf32, #tpu.memory_space<hbm>>
      %dma_start3A_273 = tpu.memref_squeeze %dma_start3A_272 : memref<1x640x128xf32, #tpu.memory_space<hbm>> -> memref<640x128xf32, #tpu.memory_space<hbm>>
      %dma_start3A_274 = arith.constant 0 : i32
      %dma_start3A_275 = tpu.memref_slice %arg11[%mul3A_269, %dma_start3A_274] : memref<10240x128xf32, #tpu.memory_space<vmem_shared>> -> memref<640x128xf32, #tpu.memory_space<vmem_shared>>
      tpu.enqueue_dma source(%dma_start3A_275 : memref<640x128xf32, #tpu.memory_space<vmem_shared>>) target(%dma_start3A_273 : memref<640x128xf32, #tpu.memory_space<hbm>>) target_semaphore(%run_scoped3A_270 : memref<!tpu.dma_semaphore, #tpu.memory_space<semaphore_mem>>)
      %dma_wait3A_276 = arith.constant 0 : i32
      %dma_wait3A_277 = tpu.memref_slice %arg5[%arg0, %mul3A_269, %dma_wait3A_276] : memref<2x10240x128xf32, #tpu.memory_space<hbm>> -> memref<1x640x128xf32, #tpu.memory_space<hbm>>
      %dma_wait3A_278 = tpu.memref_squeeze %dma_wait3A_277 : memref<1x640x128xf32, #tpu.memory_space<hbm>> -> memref<640x128xf32, #tpu.memory_space<hbm>>
      %dma_wait3A_279 = arith.constant 0 : i32
      %dma_wait3A_280 = tpu.memref_slice %arg11[%mul3A_269, %dma_wait3A_279] : memref<10240x128xf32, #tpu.memory_space<vmem_shared>> -> memref<640x128xf32, #tpu.memory_space<vmem_shared>>
      tpu.wait_dma2 semaphore(%run_scoped3A_270 : memref<!tpu.dma_semaphore, #tpu.memory_space<semaphore_mem>>) src(%dma_wait3A_280 : memref<640x128xf32, #tpu.memory_space<vmem_shared>>) dst(%dma_wait3A_278 : memref<640x128xf32, #tpu.memory_space<hbm>>)
      tpu.yield
    }) : () -> ()
    return
  }
}

module attributes {stable_mosaic.version = 14 : i64} {
  func.func @_enc_body(%arg0: i32, %arg1: memref<1000x128xf32, #tpu.memory_space<vmem>>, %arg2: memref<128x128xf32, #tpu.memory_space<vmem>>, %arg3: memref<1x128xf32, #tpu.memory_space<vmem>>, %arg4: memref<1x1xf32, #tpu.memory_space<vmem>>, %arg5: memref<1000x128xf32, #tpu.memory_space<vmem>>) attributes {dimension_semantics = [#tpu.dimension_semantics<arbitrary>], iteration_bounds = array<i64: 10>, scalar_prefetch = 0 : i64, scratch_operands = 0 : i64, tpu.core_type = #tpu.core_type<tc>, window_params = [{transform_indices = @transform_0, window_bounds = array<i64: 1000, 128>}, {pipeline_mode = #tpu.pipeline_mode<synchronous>, transform_indices = @transform_1, window_bounds = array<i64: 128, 128>}, {pipeline_mode = #tpu.pipeline_mode<synchronous>, transform_indices = @transform_2, window_bounds = array<i64: 1, 128>}, {pipeline_mode = #tpu.pipeline_mode<synchronous>, transform_indices = @transform_3, window_bounds = array<i64: 1, 1>}, {transform_indices = @transform_4, window_bounds = array<i64: 1000, 128>}]} {
    %get3A = arith.constant 0 : index
    %get3A_0 = arith.constant 0 : index
    %get3A_1 = vector.load %arg2[%get3A, %get3A_0] : memref<128x128xf32, #tpu.memory_space<vmem>>, vector<128x128xf32>
    %get3A_2 = arith.constant 0 : index
    %get3A_3 = arith.constant 0 : index
    %get3A_4 = vector.load %arg1[%get3A_2, %get3A_3] : memref<1000x128xf32, #tpu.memory_space<vmem>>, vector<1000x128xf32>
    %dot_general3A = arith.constant dense<0.000000e+00> : vector<1000x128xf32>
    %dot_general3A_5 = tpu.matmul %get3A_4, %get3A_1, %dot_general3A {dimension_numbers = #tpu.dot_dimension_numbers<[1], [1], [0], [0], [0, 0, 1, 0], [], []>, precision = #tpu.contract_precision<fp32>, transpose_lhs_hint = false} : vector<1000x128xf32>, vector<128x128xf32>, vector<1000x128xf32> -> vector<1000x128xf32>
    %get3A_6 = arith.constant 0 : index
    %get3A_7 = arith.constant 0 : index
    %get3A_8 = vector.load %arg3[%get3A_6, %get3A_7] : memref<1x128xf32, #tpu.memory_space<vmem>>, vector<1x128xf32>
    %add3A = vector.broadcast %get3A_8 : vector<1x128xf32> to vector<1000x128xf32>
    %add3A_9 = arith.addf %dot_general3A_5, %add3A : vector<1000x128xf32>
    %get3A_10 = arith.constant 0 : index
    %get3A_11 = arith.constant 0 : index
    %get3A_12 = vector.load %arg4[%get3A_10, %get3A_11] : memref<1x1xf32, #tpu.memory_space<vmem>>, vector<1x1xf32>
    %get3A_13 = vector.extract %get3A_12[0, 0] : f32 from vector<1x1xf32>
    %max3A = arith.constant 0.000000e+00 : f32
    %max3A_14 = vector.broadcast %max3A : f32 to vector<1000x128xf32>
    %max3A_15 = arith.maximumf %add3A_9, %max3A_14 : vector<1000x128xf32>
    %min3A = arith.constant 0.000000e+00 : f32
    %min3A_16 = vector.broadcast %min3A : f32 to vector<1000x128xf32>
    %min3A_17 = arith.minimumf %add3A_9, %min3A_16 : vector<1000x128xf32>
    %mul3A = vector.broadcast %get3A_13 : f32 to vector<1000x128xf32>
    %mul3A_18 = arith.mulf %mul3A, %min3A_17 : vector<1000x128xf32>
    %add3A_19 = arith.addf %max3A_15, %mul3A_18 : vector<1000x128xf32>
    %reduce_max3A = arith.constant dense<0xFF800000> : vector<1000xf32>
    %reduce_max3A_20 = vector.multi_reduction <maximumf>, %add3A_19, %reduce_max3A [1] : vector<1000x128xf32> to vector<1000xf32>
    %broadcast_in_dim3A = vector.shape_cast %reduce_max3A_20 : vector<1000xf32> to vector<1000x1xf32>
    %sub3A = vector.broadcast %broadcast_in_dim3A : vector<1000x1xf32> to vector<1000x128xf32>
    %sub3A_21 = arith.subf %add3A_19, %sub3A : vector<1000x128xf32>
    %exp3A = math.exp %sub3A_21 : vector<1000x128xf32>
    %reduce_sum3A = arith.constant dense<0.000000e+00> : vector<1000xf32>
    %reduce_sum3A_22 = vector.multi_reduction <add>, %exp3A, %reduce_sum3A [1] : vector<1000x128xf32> to vector<1000xf32>
    %broadcast_in_dim3A_23 = vector.shape_cast %reduce_sum3A_22 : vector<1000xf32> to vector<1000x1xf32>
    %div3A = vector.broadcast %broadcast_in_dim3A_23 : vector<1000x1xf32> to vector<1000x128xf32>
    %div3A_24 = arith.divf %exp3A, %div3A : vector<1000x128xf32>
    %swap3A = arith.constant 0 : index
    %swap3A_25 = arith.constant 0 : index
    %swap3A_26 = vector.load %arg5[%swap3A, %swap3A_25] : memref<1000x128xf32, #tpu.memory_space<vmem>>, vector<1000x128xf32>
    tpu.vector_store %arg5[%swap3A, %swap3A_25], %div3A_24 {strides = array<i32>} : memref<1000x128xf32, #tpu.memory_space<vmem>>, vector<1000x128xf32>,
    return
  }
  func.func @transform_0(%arg0: i32) -> (i32, i32) {
    %c0_i32 = arith.constant 0 : i32
    %c0_i32_0 = arith.constant 0 : i32
    return %arg0, %c0_i32 : i32, i32
  }
  func.func @transform_1(%arg0: i32) -> (i32, i32) {
    %c0_i32 = arith.constant 0 : i32
    %c0_i32_0 = arith.constant 0 : i32
    %c0_i32_1 = arith.constant 0 : i32
    return %c0_i32, %c0_i32_0 : i32, i32
  }
  func.func @transform_2(%arg0: i32) -> (i32, i32) {
    %c0_i32 = arith.constant 0 : i32
    %c0_i32_0 = arith.constant 0 : i32
    %c0_i32_1 = arith.constant 0 : i32
    return %c0_i32, %c0_i32_0 : i32, i32
  }
  func.func @transform_3(%arg0: i32) -> (i32, i32) {
    %c0_i32 = arith.constant 0 : i32
    %c0_i32_0 = arith.constant 0 : i32
    %c0_i32_1 = arith.constant 0 : i32
    return %c0_i32, %c0_i32_0 : i32, i32
  }
  func.func @transform_4(%arg0: i32) -> (i32, i32) {
    %c0_i32 = arith.constant 0 : i32
    %c0_i32_0 = arith.constant 0 : i32
    return %arg0, %c0_i32 : i32, i32
  }
}

module attributes {stable_mosaic.version = 14 : i64} {
  func.func @body(%arg0: i32, %arg1: memref<2x1000x128xf32, #tpu.memory_space<vmem>>, %arg2: memref<1000x128xf32, #tpu.memory_space<vmem>>) attributes {dimension_semantics = [#tpu.dimension_semantics<arbitrary>], iteration_bounds = array<i64: 10>, scalar_prefetch = 0 : i64, scratch_operands = 0 : i64, tpu.core_type = #tpu.core_type<tc>, window_params = [{transform_indices = @transform_0, window_bounds = array<i64: 2, 1000, 128>}, {transform_indices = @transform_1, window_bounds = array<i64: 1000, 128>}]} {
    %get3A = arith.constant 0 : index
    %get3A_0 = arith.constant 0 : index
    %get3A_1 = arith.constant 0 : index
    %get3A_2 = vector.load %arg1[%get3A, %get3A_0, %get3A_1] : memref<2x1000x128xf32, #tpu.memory_space<vmem>>, vector<1x1000x128xf32>
    %get3A_3 = vector.shape_cast %get3A_2 : vector<1x1000x128xf32> to vector<1000x128xf32>
    %get3A_4 = arith.constant 1 : index
    %get3A_5 = arith.constant 0 : index
    %get3A_6 = arith.constant 0 : index
    %get3A_7 = vector.load %arg1[%get3A_4, %get3A_5, %get3A_6] : memref<2x1000x128xf32, #tpu.memory_space<vmem>>, vector<1x1000x128xf32>
    %get3A_8 = vector.shape_cast %get3A_7 : vector<1x1000x128xf32> to vector<1000x128xf32>
    %add3A = arith.addf %get3A_3, %get3A_8 : vector<1000x128xf32>
    %swap3A = arith.constant 0 : index
    %swap3A_9 = arith.constant 0 : index
    %swap3A_10 = vector.load %arg2[%swap3A, %swap3A_9] : memref<1000x128xf32, #tpu.memory_space<vmem>>, vector<1000x128xf32>
    tpu.vector_store %arg2[%swap3A, %swap3A_9], %add3A {strides = array<i32>} : memref<1000x128xf32, #tpu.memory_space<vmem>>, vector<1000x128xf32>,
    return
  }
  func.func @transform_0(%arg0: i32) -> (i32, i32, i32) {
    %c0_i32 = arith.constant 0 : i32
    %c0_i32_0 = arith.constant 0 : i32
    %c0_i32_1 = arith.constant 0 : i32
    return %c0_i32, %arg0, %c0_i32_0 : i32, i32, i32
  }
  func.func @transform_1(%arg0: i32) -> (i32, i32) {
    %c0_i32 = arith.constant 0 : i32
    %c0_i32_0 = arith.constant 0 : i32
    return %arg0, %c0_i32 : i32, i32
  }
}

</mosaic_0001>

<sc_bundles>
// kernel: kernel.6.cloned.1.call-start
scs
__scs_entry_jumppad:
0x0: {  	(pc) =	sbr.rel $0x88, $3  }
0x1: {  	(tag) =	ssettag $0x0;
	lr =	simm.s32 $0x1  }
0x2: {  	[smem:$0x3F9C] =	sst lr;
	_ =	strace $0xD0000000  }
0x3: {  	_ = 	snop  }
0x4: {  	_ = 	snop  }
0x5: {  	_ = 	snop  }
0x6: {  	_ = 	snop  }
0x7: {  	_ = 	snop  }
__scs_overlays_trampoline_lowered:
0x8: {  	[smem:$0x3FAB] =	sst s0  }
0x9: {  	[smem:$0x3FAC] =	sst s1  }
0xa: {  	[smem:$0x3FAD] =	sst s2  }
0xb: {  	[smem:$0x3FAE] =	sst s3  }
0xc: {  	[smem:$0x3FAF] =	sst s4  }
0xd: {  	[smem:$0x3FB0] =	sst s5  }
0xe: {  	[smem:$0x3FB1] =	sst s6  }
0xf: {  	[smem:$0x3FB2] =	sst s7  }
0x10: {  	[smem:$0x3FB3] =	sst s8  }
0x11: {  	[smem:$0x3FB4] =	sst s9;
	s0 =	simm.s32 @!p0 $0x0  }
0x12: {  	s1 =	sld [smem:$0x3F9A];
	s0 =	simm.s32 @p0 $0x1  }
0x13: {  	[smem:$0x3FB5] =	sst s0;
	s0 =	simm.s32 @!p1 $0x0  }
0x14: {  	s2 =	sld [smem:$0x3F99];
	s0 =	simm.s32 @p1 $0x1  }
0x15: {  	[smem:$0x3FB6] =	sst s0;
	s0 =	simm.s32 @!p2 $0x0  }
0x16: {  	s3 =	sld [smem:$0x3FDB];
	s0 =	simm.s32 @p2 $0x1  }
0x17: {  	s4 =	simm.s32 $0x1BF5;
	[smem:$0x3FB8] =	sst s0  }
0x18: {  	s0 =	sld [smem:$0x3F9B];
	_ =	swait.ge [sflag:s4], $0x0  }
0x19: {  	s7 =	sld [smem:$0x3F9C]  }
0x1a: {  	s8 =	sadd.s32 $0xFFFFE003, lr  }
0x1b: {  	s9 =	sadd.s32 $0xFFFFFEF7, lr;
	s5 =	simm.s32 $0xFFFFFFFF;
	p2 =	slt.u32 s8, $0xFFFFF086  }
0x1c: {  	p1 =	slt.u32 s9, $0xF7A;
	s5 =	simm.s32 @!p2 $0x0  }
0x1d: {  	s5 =	simm.s32 @p1 $0x1;
	p0 =	seq.s32 s7, s2  }
0x1e: {  	s7 =	smul.u32 @!p0 $0xF7A, s2;
	p2 =	seq.s32 @!p0 s5, $0x0  }
0x1f: {  	s9 =	smul.u32 $0xF7A, s1;
	s8 =	simm.s32 @!p0 $0x1BF5;
	p2 =	por !p2, p0  }
0x20: {  	[sflag:s8] =	ssyncset.s32 @!p0 $0xFFFFF086;
	s6 =	sadd.s32 @!p0 s3, s7;
	s7 =	simm.s32 @!p0 $0x108  }
0x21: {  	s3 =	sadd.s32 s3, s9;
	s6 =	sadd.s32 @!p0 $0x88, s6;
	s7 =	simm.s32 @p2 $0x1082  }
0x22: {  	[simem:s7], [sflag:s8] =	dma.local @!p0 [hbm:s6], $0xF7A  }
0x23: {  	s9 =	sor.u32 $0xD0000000, s2;
	s6 =	simm.s32 $0x108;
	_ =	swait.ge @!p0 [sflag:s8], $0x0  }
0x24: {  	s3 =	sadd.s32 $0x88, s3;
	s6 =	simm.s32 @!p1 $0x1082;
	[sflag:s4] =	ssyncset.s32 $0xFFFFF086  }
0x25: {  	[simem:s6], [sflag:s4] =	dma.local [hbm:s3], $0xF7A  }
0x26: {  	[smem:$0x3F9C] =	sst s1;
	(tag) =	ssettag s2;
	_ =	strace s9  }
0x27: {  	s1 =	sld [smem:$0x3FAC]  }
0x28: {  	s2 =	sld [smem:$0x3FAD]  }
0x29: {  	s4 =	sld [smem:$0x3FAF]  }
0x2a: {  	p0 =	seq.s32 s5, $0x0;
	s5 =	sld [smem:$0x3FB0]  }
0x2b: {  	s6 =	sld [smem:$0x3FB1]  }
0x2c: {  	s7 =	sld [smem:$0x3FB2]  }
0x2d: {  	s3 =	simm.s32 $0x108;
	s8 =	sld [smem:$0x3FB3]  }
0x2e: {  	s3 =	simm.s32 @!p0 $0x1082;
	s9 =	sld [smem:$0x3FB4]  }
0x2f: {  	lr =	sadd.s32 s0, s3;
	s0 =	sld [smem:$0x3FAB]  }
0x30: {  	s3 =	sld [smem:$0x3FAE]  }
0x31: {  	[smem:$0x3FB7] =	sst s10  }
0x32: {  	s10 =	sld [smem:$0x3FB5];
	_ =	sdelay $0x3  }
0x33: {  	p0 =	seq.s32 s10, $0x1;
	s10 =	sld [smem:$0x3FB7];
	_ =	sdelay $0x3  }
0x34: {  	[smem:$0x3FB7] =	sst s10  }
0x35: {  	s10 =	sld [smem:$0x3FB6];
	_ =	sdelay $0x3  }
0x36: {  	p1 =	seq.s32 s10, $0x1;
	s10 =	sld [smem:$0x3FB7];
	_ =	sdelay $0x3  }
0x37: {  	[smem:$0x3FB7] =	sst s10  }
0x38: {  	s10 =	sld [smem:$0x3FB8]  }
0x39: {  	_ = 	snop;
	(pc) =	sbr.ind lr, $3  }
0x3a: {  	_ = 	snop  }
0x3b: {  	_ = 	snop  }
0x3c: {  	p2 =	seq.s32 s10, $0x1;
	s10 =	sld [smem:$0x3FB7]  }
0x3d: {  	_ =	shalt  }
0x3e: {  	_ =	shalt  }
0x3f: {  	_ =	shalt  }
0x40: {  	_ =	shalt  }
0x41: {  	_ =	shalt  }
0x42: {  	_ =	shalt  }
0x43: {  	_ =	shalt  }
0x44: {  	_ =	shalt  }
0x45: {  	_ =	shalt  }
0x46: {  	_ =	shalt  }
0x47: {  	_ =	shalt  }
0x48: {  	_ =	shalt  }
0x49: {  	_ =	shalt  }
0x4a: {  	_ =	shalt  }
0x4b: {  	_ =	shalt  }
0x4c: {  	_ =	shalt  }
0x4d: {  	_ =	shalt  }
0x4e: {  	_ =	shalt  }
0x4f: {  	_ =	shalt  }
0x50: {  	_ =	shalt  }
0x51: {  	_ =	shalt  }
0x52: {  	_ =	shalt  }
0x53: {  	_ =	shalt  }
0x54: {  	_ =	shalt  }
0x55: {  	_ =	shalt  }
0x56: {  	_ =	shalt  }
0x57: {  	_ =	shalt  }
0x58: {  	_ =	shalt  }
0x59: {  	_ =	shalt  }
0x5a: {  	_ =	shalt  }
0x5b: {  	_ =	shalt  }
0x5c: {  	_ =	shalt  }
0x5d: {  	_ =	shalt  }
0x5e: {  	_ =	shalt  }
0x5f: {  	_ =	shalt  }
0x60: {  	_ =	shalt  }
0x61: {  	_ =	shalt  }
0x62: {  	_ =	shalt  }
0x63: {  	_ =	shalt  }
0x64: {  	_ =	shalt  }
0x65: {  	_ =	shalt  }
0x66: {  	_ =	shalt  }
0x67: {  	_ =	shalt  }
0x68: {  	_ =	shalt  }
0x69: {  	_ =	shalt  }
0x6a: {  	_ =	shalt  }
0x6b: {  	_ =	shalt  }
0x6c: {  	_ =	shalt  }
0x6d: {  	_ =	shalt  }
0x6e: {  	_ =	shalt  }
0x6f: {  	_ =	shalt  }
0x70: {  	_ =	shalt  }
0x71: {  	_ =	shalt  }
0x72: {  	_ =	shalt  }
0x73: {  	_ =	shalt  }
0x74: {  	_ =	shalt  }
0x75: {  	_ =	shalt  }
0x76: {  	_ =	shalt  }
0x77: {  	_ =	shalt  }
0x78: {  	_ =	shalt  }
0x79: {  	_ =	shalt  }
0x7a: {  	_ =	shalt  }
0x7b: {  	_ =	shalt  }
0x7c: {  	_ =	shalt  }
0x7d: {  	_ =	shalt  }
0x7e: {  	_ =	shalt  }
0x7f: {  	_ =	shalt  }
0x80: {  	_ =	shalt  }
0x81: {  	_ =	shalt  }
0x82: {  	_ =	shalt  }
0x83: {  	_ =	shalt  }
0x84: {  	_ =	shalt  }
0x85: {  	_ =	shalt  }
0x86: {  	_ =	shalt  }
0x87: {  	_ =	shalt  }
.Lfunc_end0:
.L_simem_size_0:
called_computation_lowered:
.L_overlay_start_0:
0x88: {  	s2 =	sld [smem:$0x3FD9]  }
0x89: {  	s3 =	sld [smem:$0x3FFE];
	_ =	sdelay $0x1  }
0x8a: {  	s1 =	srdreg.scid  }
0x8b: {  	s0 =	sand.u32 $0x1, s1  }
0x8c: {  	s14 =	sshll.u32 s0, $0xA;
	s2 =	sadd.s32 s3, s2  }
0x8d: {  	s2 =	sadd.s32 s2, s14  }
0x8e: {  	[smem:$0x3FC3] =	sst s2  }
0x8f: {  	_ = 	snop  }
0x90: {  	s2 =	sld [smem:$0x3FD0];
	_ =	sdelay $0x2  }
0x91: {  	s4 =	simm.s32 $0xA;
	s5 =	simm.s32 $0x10;
	s15 =	sld [smem:$0x3FC9]  }
0x92: {  	[smem:s5], [sflag:s4] =	dma.local [hbm:s2], $0x1  }
0x93: {  	_ =	swait.eq [sflag:s4], $0x1  }
0x94: {  	[sflag:s4] =	ssyncset.done $0x0  }
0x95: {  	[sflag:s4] =	ssyncadd.s32 $0xFFFFFFFF  }
0x96: {  	s16 =	sld [smem:$0x11];
	(tm) =	ssettm $0x1  }
0x97: {  	s17 =	sld [smem:$0x3FFB];
	_ =	sdelay $0x3  }
0x98: {  	_ =	strace s17  }
0x99: {  	s4 =	sld [smem:$0x3FFC];
	_ =	sdelay $0x3  }
0x9a: {  	_ =	strace s4  }
0x9b: {  	s4 =	sld [smem:$0x3FFD];
	_ =	sdelay $0x3  }
0x9c: {  	_ =	strace s4  }
0x9d: {  	_ =	strace $0x8FFFFFFF  }
0x9e: {  	s18 =	sld [smem:$0x3FDB];
	_ =	sdelay $0x1  }
0x9f: {  	s19 =	simm.s32 $_scs_section_size  }
0xa0: {  	s6 =	simm.s32 $_size__tile_overlayer_lowered;
	s7 =	simm.s32 $_tile_overlayer_lowered  }
0xa1: {  	s22 =	simm.s32 $0x1BFF;
	s21 =	sshll.u32 s7, $0x1;
	s4 =	sadd.s32 s19, s18  }
0xa2: {  	s8 =	simm.s32 $0x0;
	s20 =	sshll.u32 s6, $0x1;
	s6 =	sadd.s32 s21, s4  }
0xa3: {  	[timem:s8], [sflag:s22] =	dma.local [hbm:s6], s20  }
0xa4: {  	_ =	swait.ge [sflag:s22], s20  }
0xa5: {  	s5 =	ssub.s32 $0x0, s20;
	[sflag:s22] =	ssyncset.done $0x0  }
0xa6: {  	[sflag:s22] =	ssyncadd.s32 s5;
	_ =	sdelay $0x1  }
0xa7: {  	s23 =	simm.s32 $0x1B8B  }
0xa8: {  	_ =	swait.ge [sflag:s23], $0x1  }
0xa9: {  	[sflag:s23] =	ssyncset.done $0x0  }
0xaa: {  	s25 =	simm.s32 $0x1B8E;
	s24 =	sld [smem:$0x3FFE];
	[sflag:s23] =	ssyncadd.s32 $0xFFFFFFFF  }
0xab: {  	s26 =	simm.s32 $execute0_lowered;
	[smem:$0x3FD2] =	sst s25  }
0xac: {  	s6 =	sshll.u32 s26, $0x1;
	_ =	strace $0x80000046;
	[dreg:$0x1] =	wrdreg $0xFFFFFFFF  }
0xad: {  	s28 =	simm.s32 $_size_execute0_lowered;
	s4 =	sadd.s32 s4, s6;
	[dreg:$0x0] =	wrdreg $0x0  }
0xae: {  	s6 =	sshll.u32 s28, $0x1;
	[dreg:$0x2] =	wrdreg s4  }
0xaf: {  	[dreg:$0x3] =	wrdreg s6  }
0xb0: {  	[dreg:$0x4] =	wrdreg $0xC0  }
0xb1: {  	_ =	task [dreg:s8], $0x5FFFF  }
0xb2: {  	[dreg:$0x1] =	wrdreg $0xFFFFFFFF  }
0xb3: {  	[dreg:$0x0] =	wrdreg $0x60  }
0xb4: {  	[dreg:$0x2] =	wrdreg s15  }
0xb5: {  	[dreg:$0x3] =	wrdreg s16  }
0xb6: {  	[dreg:$0x4] =	wrdreg s24  }
0xb7: {  	[dreg:$0x5] =	wrdreg $0xBA000  }
0xb8: {  	[dreg:$0x6] =	wrdreg $0x9  }
0xb9: {  	_ =	task.clear_ibuf [dreg:s8], $0x7FFFF;
	_ =	strace $0x90000046  }
0xba: {  	s29 =	simm.s32 $0x9;
	_ =	strace $0x80000048  }
0xbb: {  	_ =	swait.ge [sflag:s29], $0x1  }
0xbc: {  	[sflag:s29] =	ssyncadd.s32 $0xFFFFFFFF  }
0xbd: {  	_ =	strace $0x90000048  }
0xbe: {  	_ =	sfence  }
0xbf: {  	s30 =	sld [smem:$0x0];
	_ =	sdelay $0x2  }
0xc0: {  	s31 =	sshll.u32 s1, $0xD;
	s1 =	sshrl.u32 s1, $0x2  }
0xc1: {  	s3 =	sand.u32 $0x4000, s31;
	s1 =	sadd.s32 s1, s30  }
0xc2: {  	s0 =	sor.u32 s3, s0;
	s1 =	sshll.u32 s1, $0x11  }
0xc3: {  	s0 =	sor.u32 s1, s0  }
0xc4: {  	s0 =	sadd.s32 $0x8F2B, s0  }
0xc5: {  	[sflag:s0] =	ssyncadd.remote.s32 $0x1  }
0xc6: {  	_ =	sfence.sel $0xFFFF  }
0xc7: {  	[dreg:$0x0] =	wrdreg $0xFFFFFFFF;
	(pc) =	sbr.abs _section_cstart, $3  }
0xc8: {  	[dreg:$0x1] =	wrdreg $0xFFFFFFFF  }
0xc9: {  	_ =	task.clear_ibuf [dreg:s8], $0x2FFFF;
	_ =	strace $0x9FFFFFFF  }
0xca: {  	(tm) =	ssettm $0x7FFFFFFF  }
0xcb: {  	_ =	shalt  }
tec
execute0_lowered:
.L_overlay_start_1:
0x0: {  	(tag) =	ssettag $0x1  }
0x1: {  	s1 =	rddreg [dreg:$0x0]  }
0x2: {  	s7 =	rddreg [dreg:$0x1]  }
0x3: {  	s6 =	rddreg [dreg:$0x2]  }
0x4: {  	s2 =	rddreg [dreg:$0x3]  }
0x5: {  	s3 =	srdreg.scid;
	s0 =	rddreg [dreg:$0x4];
	s4 =	simm.s32 $0x0  }
0x6: {  	s16 =	simm.s32 $0x3A00;
	s17 =	simm.s32 $0x3880;
	s18 =	simm.s32 $0x7A00  }
0x7: {  	s19 =	simm.s32 $0x1;
	s20 =	simm.s32 $0x3900;
	s8 =	sand.u32 $0x1, s3  }
0x8: {  	s21 =	simm.s32 $0x2;
	s3 =	stileid.u32;
	s9 =	smul.u32 $0x140000, s8  }
0x9: {  	s22 =	simm.s32 $0x3980;
	s23 =	simm.s32 $0x0;
	s10 =	smul.u32 $0x14000, s3  }
0xa: {  	[smem:$0x7FF] =	sst s4;
	s5 =	sadd.s32 $0xC00, s6;
	s26 =	smul.u32 $0x50000, s3  }
0xb: {  	_ =	strace $0x80000047;
	s11 =	ssub.s32 $0x2, s8;
	s12 =	smul.u32 $0x38000, s8  }
0xc: {  	s14 =	smul.u32 $0x3800, s3;
	p0 =	seq.s32 s8, $0x0;
	s30 =	sshll.u32 s3, $0x6  }
0xd: {  	s13 =	sshrl.u32 s11, $0x1;
	s9 =	sadd.s32 s10, s9;
	s10 =	sshrl.u32 s26, $0x2  }
0xe: {  	s11 =	ssub.s32 s11, s13;
	s29 =	sadd.s32 s14, s12;
	s13 =	simm.s32 $0x3  }
0xf: {  	s14 =	simm.s32 $0x80;
	s9 =	sshrl.u32 s9, $0x3;
	s28 =	sadd.s32 s10, s2  }
0x10: {  	s31 =	sshrl.u32 s29, $0x3;
	s11 =	smax.u32 s11, $0x1;
	s15 =	sadd.s32 s9, s6  }
0x11: {  	s9 =	simm.s32 $0x68;
	s6 =	sor.u32 $0x1C03, s30;
	s7 =	sadd.s32 s7, s31  }
0x12: {  	s12 =	sshrl.u32 s28, $0x3;
	s9 =	simm.s32 @!p0 $0x34;
	s10 =	sadd.s32 $0x3400, s15  }
0x13: {  	s15 =	simm.s32 $0x3800;
	s8 =	sshrl.u32 s9, $0x1;
	s9 =	sshll.u32 s9, $0x7  }
.LBB2_1:
0x14: {  	[spmem:s12], [sflag:s6] =	dma.local [hbm:s5], $0x2800  }
0x15: {  	_ =	swait.ge [sflag:s13], $0x2800  }
0x16: {  	[sflag:s13] =	ssyncset.done $0x0  }
0x17: {  	[sflag:s13] =	ssyncadd.s32 $0xFFFFD800  }
0x18: {  	[tilespmem:s4], [sflag:$0x3] =	stream.linear.gather [hbm4b:s7+s4], $0x3480, $0x38;
	[tilespmem:$0x1FA00] =	vst v63  }
0x19: {  	_ =	swait.ge [sflag:s13], $0x3480  }
0x1a: {  	[sflag:s13] =	ssyncset.done $0x0  }
0x1b: {  	[sflag:s13] =	ssyncadd.s32 $0xFFFFCB80  }
0x1c: {  	[bflag:$0x0] =	sbarrier.arrive $0xFFFF  }
0x1d: {  	v0 =	vld [tilespmem:$0x0]  }
0x1e: {  	v1 =	vld [tilespmem:$0x10]  }
0x1f: {  	v2 =	vld [tilespmem:$0x20]  }
0x20: {  	v3 =	vld [tilespmem:$0x30]  }
0x21: {  	v4 =	vld [tilespmem:$0x40]  }
0x22: {  	v5 =	vld [tilespmem:$0x50];
	v0 =	vand.u32 $0x3FFF, v0  }
0x23: {  	v55 =	vld [tilespmem:$0x60];
	v54 =	vand.u32 $0x3FFF, v1;
	[tilespmem:$0x3800] =	vst v0  }
0x24: {  	v57 =	vld [tilespmem:$0x70];
	v56 =	vand.u32 $0x3FFF, v2;
	[tilespmem:$0x3810] =	vst v54  }
0x25: {  	v58 =	vand.u32 $0x3FFF, v3;
	[tilespmem:$0x3820] =	vst v56  }
0x26: {  	v59 =	vand.u32 $0x3FFF, v4;
	[tilespmem:$0x3830] =	vst v58  }
0x27: {  	v60 =	vand.u32 $0x3FFF, v5;
	[tilespmem:$0x3840] =	vst v59  }
0x28: {  	v61 =	vand.u32 $0x3FFF, v55;
	[tilespmem:$0x3850] =	vst v60  }
0x29: {  	v62 =	vand.u32 $0x3FFF, v57;
	[tilespmem:$0x3860] =	vst v61  }
0x2a: {  	s24 =	simm.s32 $0xC0;
	[tilespmem:$0x3870] =	vst v62  }
0x2b: {  	[tilespmem:s16], [sflag:$0x1] =	stream.indirect.gather [hbm4b:s1+s14], $0x80, s15, s14, $0xb8;
	[tilespmem:$0x1FA00] =	vst v63  }
0x2c: {  	v0 =	vld [tilespmem:s24+$0xFFFFFFC0];
	_ =	sdelay $0x4  }
0x2d: {  	v0 =	vand.u32 $0x3FFF, v0  }
0x2e: {  	[tilespmem:$0x3880] =	vst v0  }
0x2f: {  	v0 =	vld [tilespmem:s24+$0xFFFFFFD0];
	_ =	sdelay $0x4  }
0x30: {  	v0 =	vand.u32 $0x3FFF, v0  }
0x31: {  	[tilespmem:$0x3890] =	vst v0  }
0x32: {  	v0 =	vld [tilespmem:s24+$0xFFFFFFE0];
	_ =	sdelay $0x4  }
0x33: {  	v0 =	vand.u32 $0x3FFF, v0  }
0x34: {  	[tilespmem:$0x38A0] =	vst v0  }
0x35: {  	v0 =	vld [tilespmem:s24+$0xFFFFFFF0];
	_ =	sdelay $0x4  }
0x36: {  	v0 =	vand.u32 $0x3FFF, v0  }
0x37: {  	[tilespmem:$0x38B0] =	vst v0  }
0x38: {  	v0 =	vld [tilespmem:s24+$0x0];
	_ =	sdelay $0x4  }
0x39: {  	v0 =	vand.u32 $0x3FFF, v0  }
0x3a: {  	[tilespmem:$0x38C0] =	vst v0  }
0x3b: {  	v0 =	vld [tilespmem:s24+$0x10];
	_ =	sdelay $0x4  }
0x3c: {  	v0 =	vand.u32 $0x3FFF, v0  }
0x3d: {  	[tilespmem:$0x38D0] =	vst v0  }
0x3e: {  	v0 =	vld [tilespmem:s24+$0x20];
	_ =	sdelay $0x4  }
0x3f: {  	v0 =	vand.u32 $0x3FFF, v0  }
0x40: {  	[tilespmem:$0x38E0] =	vst v0  }
0x41: {  	v0 =	vld [tilespmem:s24+$0x30];
	_ =	sdelay $0x4  }
0x42: {  	v0 =	vand.u32 $0x3FFF, v0  }
0x43: {  	[tilespmem:$0x38F0] =	vst v0  }
0x44: {  	[tilespmem:s18], [sflag:$0x2] =	stream.indirect.gather [hbm4b:s1+s14], $0x80, s17, s14, $0xb8;
	[tilespmem:$0x1FA00] =	vst v63  }
0x45: {  	v0 =	vld [tilespmem:s24+$0xFFFFFF40];
	_ =	sdelay $0x4  }
0x46: {  	v0 =	vshrl.u32 v0, $0xE  }
0x47: {  	[tilespmem:$0x3900] =	vst v0  }
0x48: {  	v0 =	vld [tilespmem:s24+$0xFFFFFF50];
	_ =	sdelay $0x4  }
0x49: {  	v0 =	vshrl.u32 v0, $0xE  }
0x4a: {  	[tilespmem:$0x3910] =	vst v0  }
0x4b: {  	v0 =	vld [tilespmem:s24+$0xFFFFFF60];
	_ =	sdelay $0x4  }
0x4c: {  	v0 =	vshrl.u32 v0, $0xE  }
0x4d: {  	[tilespmem:$0x3920] =	vst v0  }
0x4e: {  	v0 =	vld [tilespmem:s24+$0xFFFFFF70];
	_ =	sdelay $0x4  }
0x4f: {  	v0 =	vshrl.u32 v0, $0xE  }
0x50: {  	[tilespmem:$0x3930] =	vst v0  }
0x51: {  	v0 =	vld [tilespmem:s24+$0xFFFFFF80];
	_ =	sdelay $0x4  }
0x52: {  	v0 =	vshrl.u32 v0, $0xE  }
0x53: {  	[tilespmem:$0x3940] =	vst v0  }
0x54: {  	v0 =	vld [tilespmem:s24+$0xFFFFFF90];
	_ =	sdelay $0x4  }
0x55: {  	v0 =	vshrl.u32 v0, $0xE  }
0x56: {  	[tilespmem:$0x3950] =	vst v0  }
0x57: {  	v0 =	vld [tilespmem:s24+$0xFFFFFFA0];
	_ =	sdelay $0x4  }
0x58: {  	v0 =	vshrl.u32 v0, $0xE  }
0x59: {  	[tilespmem:$0x3960] =	vst v0  }
0x5a: {  	v0 =	vld [tilespmem:s24+$0xFFFFFFB0];
	_ =	sdelay $0x4  }
0x5b: {  	v0 =	vshrl.u32 v0, $0xE  }
0x5c: {  	[tilespmem:$0x3970] =	vst v0  }
0x5d: {  	_ =	swait.ge [sflag:s19], $0x4000  }
0x5e: {  	[sflag:s19] =	ssyncset.done $0x0  }
0x5f: {  	[sflag:s19] =	ssyncadd.s32 $0xFFFFC000  }
0x60: {  	[spmem:s2] =	stream.indirect.scatter.add.f32 [tilespmem:s16], [sflag:$0x3], $0x80, s20, s14, $0xb8;
	[tilespmem:$0x1FA00] =	vst v63  }
0x61: {  	_ =	swait.ge [sflag:s13], $0x4000  }
0x62: {  	[sflag:s13] =	ssyncset.done $0x0  }
0x63: {  	[sflag:s13] =	ssyncadd.s32 $0xFFFFC000  }
0x64: {  	v63 =	vld [tilespmem:s24+$0x40];
	_ =	sdelay $0x4  }
0x65: {  	v0 =	vand.u32 $0x3FFF, v63  }
0x66: {  	[tilespmem:$0x3800] =	vst v0  }
0x67: {  	v0 =	vld [tilespmem:s24+$0x50];
	_ =	sdelay $0x4  }
0x68: {  	v0 =	vand.u32 $0x3FFF, v0  }
0x69: {  	[tilespmem:$0x3810] =	vst v0  }
0x6a: {  	v0 =	vld [tilespmem:s24+$0x60];
	_ =	sdelay $0x4  }
0x6b: {  	v0 =	vand.u32 $0x3FFF, v0  }
0x6c: {  	[tilespmem:$0x3820] =	vst v0  }
0x6d: {  	v0 =	vld [tilespmem:s24+$0x70];
	_ =	sdelay $0x4  }
0x6e: {  	v0 =	vand.u32 $0x3FFF, v0  }
0x6f: {  	[tilespmem:$0x3830] =	vst v0  }
0x70: {  	v0 =	vld [tilespmem:s24+$0x80];
	_ =	sdelay $0x4  }
0x71: {  	v0 =	vand.u32 $0x3FFF, v0  }
0x72: {  	[tilespmem:$0x3840] =	vst v0  }
0x73: {  	v0 =	vld [tilespmem:s24+$0x90];
	_ =	sdelay $0x4  }
0x74: {  	v0 =	vand.u32 $0x3FFF, v0  }
0x75: {  	[tilespmem:$0x3850] =	vst v0  }
0x76: {  	v0 =	vld [tilespmem:s24+$0xA0];
	_ =	sdelay $0x4  }
0x77: {  	v0 =	vand.u32 $0x3FFF, v0  }
0x78: {  	[tilespmem:$0x3860] =	vst v0  }
0x79: {  	v0 =	vld [tilespmem:s24+$0xB0];
	_ =	sdelay $0x4  }
0x7a: {  	v0 =	vand.u32 $0x3FFF, v0  }
0x7b: {  	[tilespmem:$0x3870] =	vst v0  }
0x7c: {  	[tilespmem:s16], [sflag:$0x1] =	stream.indirect.gather [hbm4b:s1+s14], $0x80, s15, s14, $0xb8;
	[tilespmem:$0x1FA00] =	vst v63  }
0x7d: {  	v0 =	vld [tilespmem:s24+$0xFFFFFFC0];
	_ =	sdelay $0x4  }
0x7e: {  	v0 =	vshrl.u32 v0, $0xE  }
0x7f: {  	[tilespmem:$0x3980] =	vst v0  }
0x80: {  	v0 =	vld [tilespmem:s24+$0xFFFFFFD0];
	_ =	sdelay $0x4  }
0x81: {  	v0 =	vshrl.u32 v0, $0xE  }
0x82: {  	[tilespmem:$0x3990] =	vst v0  }
0x83: {  	v0 =	vld [tilespmem:s24+$0xFFFFFFE0];
	_ =	sdelay $0x4  }
0x84: {  	v0 =	vshrl.u32 v0, $0xE  }
0x85: {  	[tilespmem:$0x39A0] =	vst v0  }
0x86: {  	v0 =	vld [tilespmem:s24+$0xFFFFFFF0];
	_ =	sdelay $0x4  }
0x87: {  	v0 =	vshrl.u32 v0, $0xE  }
0x88: {  	[tilespmem:$0x39B0] =	vst v0  }
0x89: {  	v0 =	vld [tilespmem:s24+$0x0];
	_ =	sdelay $0x4  }
0x8a: {  	v0 =	vshrl.u32 v0, $0xE  }
0x8b: {  	[tilespmem:$0x39C0] =	vst v0  }
0x8c: {  	v0 =	vld [tilespmem:s24+$0x10];
	_ =	sdelay $0x4  }
0x8d: {  	v0 =	vshrl.u32 v0, $0xE  }
0x8e: {  	[tilespmem:$0x39D0] =	vst v0  }
0x8f: {  	v0 =	vld [tilespmem:s24+$0x20];
	_ =	sdelay $0x4  }
0x90: {  	v0 =	vshrl.u32 v0, $0xE  }
0x91: {  	[tilespmem:$0x39E0] =	vst v0  }
0x92: {  	v0 =	vld [tilespmem:s24+$0x30];
	_ =	sdelay $0x4  }
0x93: {  	v0 =	vshrl.u32 v0, $0xE  }
0x94: {  	[tilespmem:$0x39F0] =	vst v0  }
0x95: {  	p0 =	sne.s32 s8, $0x1;
	_ =	swait.ge [sflag:s21], $0x4000  }
.Ltmp0:
0x96: {  	[sflag:s21] =	ssyncset.done $0x0;
	(pc) =	sbr.rel @!p0 .LBB2_3-.Ltmp0, $4  }
0x97: {  	[sflag:s21] =	ssyncadd.s32 $0xFFFFC000  }
0x98: {  	[spmem:s2] =	stream.indirect.scatter.add.f32 [tilespmem:s18], [sflag:$0x3], $0x80, s22, s14, $0xb8;
	[tilespmem:$0x1FA00] =	vst v63  }
0x99: {  	_ =	swait.ge [sflag:s13], $0x4000  }
0x9a: {  	s25 =	sadd.s32 $0xFFFFFFFF, s8;
	[sflag:s13] =	ssyncset.done $0x0  }
.LBB2_2:
0x9b: {  	p0 =	sne.s32 s25, $0x1;
	[sflag:s13] =	ssyncadd.s32 $0xFFFFC000;
	s24 =	sadd.s32 $0x100, s24  }
0x9c: {  	s25 =	sadd.s32 $0xFFFFFFFF, s25;
	v0 =	vld [tilespmem:s24+$0xFFFFFFC0];
	_ =	sdelay $0x4  }
0x9d: {  	v0 =	vand.u32 $0x3FFF, v0  }
0x9e: {  	[tilespmem:$0x3880] =	vst v0  }
0x9f: {  	v0 =	vld [tilespmem:s24+$0xFFFFFFD0];
	_ =	sdelay $0x4  }
0xa0: {  	v0 =	vand.u32 $0x3FFF, v0  }
0xa1: {  	[tilespmem:$0x3890] =	vst v0  }
0xa2: {  	v0 =	vld [tilespmem:s24+$0xFFFFFFE0];
	_ =	sdelay $0x4  }
0xa3: {  	v0 =	vand.u32 $0x3FFF, v0  }
0xa4: {  	[tilespmem:$0x38A0] =	vst v0  }
0xa5: {  	v0 =	vld [tilespmem:s24+$0xFFFFFFF0];
	_ =	sdelay $0x4  }
0xa6: {  	v0 =	vand.u32 $0x3FFF, v0  }
0xa7: {  	[tilespmem:$0x38B0] =	vst v0  }
0xa8: {  	v0 =	vld [tilespmem:s24+$0x0];
	_ =	sdelay $0x4  }
0xa9: {  	v0 =	vand.u32 $0x3FFF, v0  }
0xaa: {  	[tilespmem:$0x38C0] =	vst v0  }
0xab: {  	v0 =	vld [tilespmem:s24+$0x10];
	_ =	sdelay $0x4  }
0xac: {  	v0 =	vand.u32 $0x3FFF, v0  }
0xad: {  	[tilespmem:$0x38D0] =	vst v0  }
0xae: {  	v0 =	vld [tilespmem:s24+$0x20];
	_ =	sdelay $0x4  }
0xaf: {  	v0 =	vand.u32 $0x3FFF, v0  }
0xb0: {  	[tilespmem:$0x38E0] =	vst v0  }
0xb1: {  	v0 =	vld [tilespmem:s24+$0x30];
	_ =	sdelay $0x4  }
0xb2: {  	v0 =	vand.u32 $0x3FFF, v0  }
0xb3: {  	[tilespmem:$0x38F0] =	vst v0  }
0xb4: {  	[tilespmem:s18], [sflag:$0x2] =	stream.indirect.gather [hbm4b:s1+s14], $0x80, s17, s14, $0xb8;
	[tilespmem:$0x1FA00] =	vst v63  }
0xb5: {  	v0 =	vld [tilespmem:s24+$0xFFFFFF40];
	_ =	sdelay $0x4  }
0xb6: {  	v0 =	vshrl.u32 v0, $0xE  }
0xb7: {  	[tilespmem:$0x3900] =	vst v0  }
0xb8: {  	v0 =	vld [tilespmem:s24+$0xFFFFFF50];
	_ =	sdelay $0x4  }
0xb9: {  	v0 =	vshrl.u32 v0, $0xE  }
0xba: {  	[tilespmem:$0x3910] =	vst v0  }
0xbb: {  	v0 =	vld [tilespmem:s24+$0xFFFFFF60];
	_ =	sdelay $0x4  }
0xbc: {  	v0 =	vshrl.u32 v0, $0xE  }
0xbd: {  	[tilespmem:$0x3920] =	vst v0  }
0xbe: {  	v0 =	vld [tilespmem:s24+$0xFFFFFF70];
	_ =	sdelay $0x4  }
0xbf: {  	v0 =	vshrl.u32 v0, $0xE  }
0xc0: {  	[tilespmem:$0x3930] =	vst v0  }
0xc1: {  	v0 =	vld [tilespmem:s24+$0xFFFFFF80];
	_ =	sdelay $0x4  }
0xc2: {  	v0 =	vshrl.u32 v0, $0xE  }
0xc3: {  	[tilespmem:$0x3940] =	vst v0  }
0xc4: {  	v0 =	vld [tilespmem:s24+$0xFFFFFF90];
	_ =	sdelay $0x4  }
0xc5: {  	v0 =	vshrl.u32 v0, $0xE  }
0xc6: {  	[tilespmem:$0x3950] =	vst v0  }
0xc7: {  	v0 =	vld [tilespmem:s24+$0xFFFFFFA0];
	_ =	sdelay $0x4  }
0xc8: {  	v0 =	vshrl.u32 v0, $0xE  }
0xc9: {  	[tilespmem:$0x3960] =	vst v0  }
0xca: {  	v0 =	vld [tilespmem:s24+$0xFFFFFFB0];
	_ =	sdelay $0x4  }
0xcb: {  	v0 =	vshrl.u32 v0, $0xE  }
0xcc: {  	[tilespmem:$0x3970] =	vst v0  }
0xcd: {  	_ =	swait.ge [sflag:s19], $0x4000  }
0xce: {  	[sflag:s19] =	ssyncset.done $0x0  }
0xcf: {  	[sflag:s19] =	ssyncadd.s32 $0xFFFFC000  }
0xd0: {  	[spmem:s2] =	stream.indirect.scatter.add.f32 [tilespmem:s16], [sflag:$0x3], $0x80, s20, s14, $0xb8;
	[tilespmem:$0x1FA00] =	vst v63  }
0xd1: {  	_ =	swait.ge [sflag:s13], $0x4000  }
0xd2: {  	[sflag:s13] =	ssyncset.done $0x0  }
0xd3: {  	[sflag:s13] =	ssyncadd.s32 $0xFFFFC000  }
0xd4: {  	v0 =	vld [tilespmem:s24+$0x40];
	_ =	sdelay $0x4  }
0xd5: {  	v0 =	vand.u32 $0x3FFF, v0  }
0xd6: {  	[tilespmem:$0x3800] =	vst v0  }
0xd7: {  	v0 =	vld [tilespmem:s24+$0x50];
	_ =	sdelay $0x4  }
0xd8: {  	v0 =	vand.u32 $0x3FFF, v0  }
0xd9: {  	[tilespmem:$0x3810] =	vst v0  }
0xda: {  	v0 =	vld [tilespmem:s24+$0x60];
	_ =	sdelay $0x4  }
0xdb: {  	v0 =	vand.u32 $0x3FFF, v0  }
0xdc: {  	[tilespmem:$0x3820] =	vst v0  }
0xdd: {  	v0 =	vld [tilespmem:s24+$0x70];
	_ =	sdelay $0x4  }
0xde: {  	v0 =	vand.u32 $0x3FFF, v0  }
0xdf: {  	[tilespmem:$0x3830] =	vst v0  }
0xe0: {  	v0 =	vld [tilespmem:s24+$0x80];
	_ =	sdelay $0x4  }
0xe1: {  	v0 =	vand.u32 $0x3FFF, v0  }
0xe2: {  	[tilespmem:$0x3840] =	vst v0  }
0xe3: {  	v0 =	vld [tilespmem:s24+$0x90];
	_ =	sdelay $0x4  }
0xe4: {  	v0 =	vand.u32 $0x3FFF, v0  }
0xe5: {  	[tilespmem:$0x3850] =	vst v0  }
0xe6: {  	v0 =	vld [tilespmem:s24+$0xA0];
	_ =	sdelay $0x4  }
0xe7: {  	v0 =	vand.u32 $0x3FFF, v0  }
0xe8: {  	[tilespmem:$0x3860] =	vst v0  }
0xe9: {  	v0 =	vld [tilespmem:s24+$0xB0];
	_ =	sdelay $0x4  }
0xea: {  	v0 =	vand.u32 $0x3FFF, v0  }
0xeb: {  	[tilespmem:$0x3870] =	vst v0  }
0xec: {  	[tilespmem:s16], [sflag:$0x1] =	stream.indirect.gather [hbm4b:s1+s14], $0x80, s15, s14, $0xb8;
	[tilespmem:$0x1FA00] =	vst v63  }
0xed: {  	v0 =	vld [tilespmem:s24+$0xFFFFFFC0];
	_ =	sdelay $0x4  }
0xee: {  	v0 =	vshrl.u32 v0, $0xE  }
0xef: {  	[tilespmem:$0x3980] =	vst v0  }
0xf0: {  	v0 =	vld [tilespmem:s24+$0xFFFFFFD0];
	_ =	sdelay $0x4  }
0xf1: {  	v0 =	vshrl.u32 v0, $0xE  }
0xf2: {  	[tilespmem:$0x3990] =	vst v0  }
0xf3: {  	v0 =	vld [tilespmem:s24+$0xFFFFFFE0];
	_ =	sdelay $0x4  }
0xf4: {  	v0 =	vshrl.u32 v0, $0xE  }
0xf5: {  	[tilespmem:$0x39A0] =	vst v0  }
0xf6: {  	v0 =	vld [tilespmem:s24+$0xFFFFFFF0];
	_ =	sdelay $0x4  }
0xf7: {  	v0 =	vshrl.u32 v0, $0xE  }
0xf8: {  	[tilespmem:$0x39B0] =	vst v0  }
0xf9: {  	v0 =	vld [tilespmem:s24+$0x0];
	_ =	sdelay $0x4  }
0xfa: {  	v0 =	vshrl.u32 v0, $0xE  }
0xfb: {  	[tilespmem:$0x39C0] =	vst v0  }
0xfc: {  	v0 =	vld [tilespmem:s24+$0x10];
	_ =	sdelay $0x4  }
0xfd: {  	v0 =	vshrl.u32 v0, $0xE  }
0xfe: {  	[tilespmem:$0x39D0] =	vst v0  }
0xff: {  	v0 =	vld [tilespmem:s24+$0x20];
	_ =	sdelay $0x4  }
0x100: {  	v0 =	vshrl.u32 v0, $0xE  }
0x101: {  	[tilespmem:$0x39E0] =	vst v0  }
0x102: {  	v0 =	vld [tilespmem:s24+$0x30];
	_ =	sdelay $0x4  }
0x103: {  	v0 =	vshrl.u32 v0, $0xE  }
0x104: {  	[tilespmem:$0x39F0] =	vst v0  }
0x105: {  	_ =	swait.ge [sflag:s21], $0x4000  }
.Ltmp1:
0x106: {  	[sflag:s21] =	ssyncset.done $0x0;
	(pc) =	sbr.rel @p0 .LBB2_2-.Ltmp1, $4  }
0x107: {  	[sflag:s21] =	ssyncadd.s32 $0xFFFFC000  }
0x108: {  	[spmem:s2] =	stream.indirect.scatter.add.f32 [tilespmem:s18], [sflag:$0x3], $0x80, s22, s14, $0xb8;
	[tilespmem:$0x1FA00] =	vst v63  }
0x109: {  	_ =	swait.ge [sflag:s13], $0x4000  }
0x10a: {  	[sflag:s13] =	ssyncset.done $0x0  }
.LBB2_3:
0x10b: {  	[sflag:s13] =	ssyncadd.s32 $0xFFFFC000  }
0x10c: {  	v0 =	vld [tilespmem:s9+$0x0];
	_ =	sdelay $0x4  }
0x10d: {  	v0 =	vshrl.u32 v0, $0xE  }
0x10e: {  	[tilespmem:$0x3900] =	vst v0  }
0x10f: {  	v0 =	vld [tilespmem:s9+$0x10];
	_ =	sdelay $0x4  }
0x110: {  	v0 =	vshrl.u32 v0, $0xE  }
0x111: {  	[tilespmem:$0x3910] =	vst v0  }
0x112: {  	v0 =	vld [tilespmem:s9+$0x20];
	_ =	sdelay $0x4  }
0x113: {  	v0 =	vshrl.u32 v0, $0xE  }
0x114: {  	[tilespmem:$0x3920] =	vst v0  }
0x115: {  	v0 =	vld [tilespmem:s9+$0x30];
	_ =	sdelay $0x4  }
0x116: {  	v0 =	vshrl.u32 v0, $0xE  }
0x117: {  	[tilespmem:$0x3930] =	vst v0  }
0x118: {  	v0 =	vld [tilespmem:s9+$0x40];
	_ =	sdelay $0x4  }
0x119: {  	v0 =	vshrl.u32 v0, $0xE  }
0x11a: {  	[tilespmem:$0x3940] =	vst v0  }
0x11b: {  	v0 =	vld [tilespmem:s9+$0x50];
	_ =	sdelay $0x4  }
0x11c: {  	v0 =	vshrl.u32 v0, $0xE  }
0x11d: {  	[tilespmem:$0x3950] =	vst v0  }
0x11e: {  	v0 =	vld [tilespmem:s9+$0x60];
	_ =	sdelay $0x4  }
0x11f: {  	v0 =	vshrl.u32 v0, $0xE  }
0x120: {  	[tilespmem:$0x3960] =	vst v0  }
0x121: {  	v0 =	vld [tilespmem:s9+$0x70];
	_ =	sdelay $0x4  }
0x122: {  	v0 =	vshrl.u32 v0, $0xE  }
0x123: {  	[tilespmem:$0x3970] =	vst v0  }
0x124: {  	_ =	swait.ge [sflag:s19], $0x4000  }
0x125: {  	[sflag:s19] =	ssyncset.done $0x0  }
0x126: {  	[sflag:s19] =	ssyncadd.s32 $0xFFFFC000  }
0x127: {  	[spmem:s2] =	stream.indirect.scatter.add.f32 [tilespmem:s16], [sflag:$0x3], $0x80, s20, s14, $0xb8;
	[tilespmem:$0x1FA00] =	vst v63  }
0x128: {  	_ =	swait.ge [sflag:s13], $0x4000  }
0x129: {  	s23 =	sadd.s32 $0x1, s23;
	[sflag:s13] =	ssyncset.done $0x0  }
0x12a: {  	p0 =	sne.s32 s23, s11;
	[sflag:s13] =	ssyncadd.s32 $0xFFFFC000  }
.Ltmp2:
0x12b: {  	[bflag:$0x0] =	sbarrier.arrive $0xFFFF;
	(pc) =	sbr.rel @p0 .LBB2_1-.Ltmp2, $4  }
0x12c: {  	[hbm:s10], [sflag:s6] =	dma.local [spmem:s12], $0x2800  }
0x12d: {  	_ =	swait.ge [sflag:s13], $0x2800  }
0x12e: {  	[sflag:s13] =	ssyncset.done $0x0  }
0x12f: {  	[sflag:s13] =	ssyncadd.s32 $0xFFFFD800  }
0x130: {  	_ =	sfence.sel $0x180000  }
0x131: {  	[bflag:$0x0] =	sbarrier.arrive $0xFFFF  }
0x132: {  	p0 =	sne.s32 s3, $0x0;
	_ =	strace $0x90000047  }
0x133: {  	s0 =	sadd.s32 @!p0 $0x100000, s0;
	[bflag:$0x2] =	sbarrier.arrive $0xFFFF  }
0x134: {  	[sflag:s0] =	ssyncadd.tile.s32 @!p0 $0x1;
	_ =	shalt  }
.Lfunc_end2:
_tile_overlayer_lowered:
.L_overlay_start_2:
0x135: {  	(tag) =	ssettag $0x2  }
0x136: {  	s0 =	rddreg [dreg:$0x0];
	s2 =	stileid.u32  }
0x137: {  	s1 =	rddreg [dreg:$0x1];
	p0 =	sne.s32 s2, $0x0  }
0x138: {  	s3 =	rddreg [dreg:$0x2];
	[bflag:$0x3] =	sbarrier.arrive $0xFFFF;
	s2 =	simm.s32 @!p0 $0x1C03  }
0x139: {  	[timem:s3], [sflag:s2] =	dma.local @!p0 [hbm:s0], s1  }
0x13a: {  	s0 =	simm.s32 @!p0 $0x3  }
0x13b: {  	_ =	swait.ge @!p0 [sflag:s0], s1  }
0x13c: {  	s1 =	ssub.s32 @!p0 $0x0, s1;
	[sflag:s0] =	ssyncset.done @!p0 $0x0  }
0x13d: {  	[sflag:s0] =	ssyncadd.s32 @!p0 s1  }
0x13e: {  	[bflag:$0x3] =	sbarrier.arrive $0xFFFF  }
0x13f: {  	_ =	shalt  }

</sc_bundles>
